<compile_context>
chip_gen: v7x
topology: tpu7x:2x2x1
jax: 0.10.2.dev20260603
libtpu: 0.0.44.dev20260713+nightly
codegen_flags: <defaults>
</compile_context>

<pallas_src>
import jax
import jax.numpy as jnp
import numpy as np
from jax.experimental import pallas as pl
from jax.experimental.pallas import tpu as pltpu

_DIMS = [512, 512, 512, 256, 1536, 3072, 1120, 919]
_UNITS = 1024
_E = 8
_H = 8
_TOPK = 4
_TB = 128

_OFFS = [0, 512, 1024, 1536, 1792, 3328, 6400, 7424]
_SIZES = [512, 512, 512, 256, 1536, 3072, 1120, 1015]
_W7_PAD = 7520 - 7424

_NEG_INF = np.float32(-np.inf)


def _body(x_ref, f_ref, w0, w1, w2, w3, w4, w5, w6, w7,
          wg_ref, gw_ref, out_ref, eo_ref):
    wrefs = [w0, w1, w2, w3, w4, w5, w6, w7]
    eos_bf = []
    xb = x_ref[...].astype(jnp.bfloat16)
    for e in range(_E):
        xe = xb[:, _OFFS[e]:_OFFS[e] + _SIZES[e]]
        h = jnp.dot(xe, wrefs[e][...], preferred_element_type=jnp.float32)
        h = jnp.maximum(h, 0.0)
        eo_ref[e] = h
        eos_bf.append(h.astype(jnp.bfloat16))

    g = jnp.dot(f_ref[...].astype(jnp.bfloat16), wg_ref[...],
                preferred_element_type=jnp.float32)
    g = jnp.maximum(g, 0.0)
    wtd = g * gw_ref[0]

    lane = jax.lax.broadcasted_iota(jnp.int32, (1, _H * _E), 1) % _E

    def masks(k):
        return lane >= k, lane <= _E - 1 - k

    rank = None
    for d in range(1, _E):
        ml, mr = masks(d)
        lt = (ml & (jnp.roll(wtd, d, axis=1) >= wtd)).astype(jnp.float32)
        rt = (mr & (jnp.roll(wtd, -d, axis=1) > wtd)).astype(jnp.float32)
        rank = lt + rt if rank is None else rank + lt + rt
    sel = rank < float(_TOPK)

    m = wtd
    for k in (1, 2, 4):
        pick = (lane & k) > 0
        m = jnp.maximum(m, jnp.where(pick, jnp.roll(m, k, axis=1),
                                     jnp.roll(m, -k, axis=1)))

    p = jnp.where(sel, jnp.exp((wtd - m) * 100.0), 0.0)
    s = p
    for k in (1, 2, 4):
        pick = (lane & k) > 0
        s = s + jnp.where(pick, jnp.roll(s, k, axis=1),
                          jnp.roll(s, -k, axis=1))
    w64 = p / s

    for hp in range(_H // 2):
        h0, h1 = 2 * hp, 2 * hp + 1
        acc0 = acc1 = None
        for e in range(_E):
            t = eos_bf[e]
            wc0 = w64[:, h0 * _E + e:h0 * _E + e + 1].astype(jnp.bfloat16)
            wc1 = w64[:, h1 * _E + e:h1 * _E + e + 1].astype(jnp.bfloat16)
            t0 = wc0 * t
            t1 = wc1 * t
            acc0 = t0 if acc0 is None else acc0 + t0
            acc1 = t1 if acc1 is None else acc1 + t1
        out_ref[:, h0 * _UNITS:(h0 + 1) * _UNITS] = acc0.astype(jnp.float32)
        out_ref[:, h1 * _UNITS:(h1 + 1) * _UNITS] = acc1.astype(jnp.float32)


def kernel(feature_input, inputs, W0, W1, W2, W3, W4, W5, W6, W7,
           b, bn_gamma, bn_beta, expert_bias, Wg, bg, gating_bias,
           global_weights):
    B, feat = feature_input.shape
    inv_std = np.float32(1.0 / np.sqrt(1.0 + 1e-5))

    Ws = [W0, W1, W2, W3, W4, W5, W6,
          jnp.concatenate([jnp.zeros((_W7_PAD, _UNITS), W7.dtype), W7],
                          axis=0)]
    Wb = [(w * inv_std).astype(jnp.bfloat16) for w in Ws]

    wg2 = jnp.transpose(Wg, (1, 0, 2)).reshape(feat, _H * _E)
    wg2 = wg2.astype(jnp.bfloat16)
    gwn = jnp.tile(jax.nn.softmax(global_weights / 0.01), _H)
    gwn = gwn.reshape(1, _H * _E)

    nb = B // _TB
    vmem = pl.BlockSpec(memory_space=pltpu.VMEM)
    out, eo_t = pl.pallas_call(
        _body,
        grid=(nb,),
        in_specs=[
            pl.BlockSpec((_TB, sum(_DIMS)), lambda i: (i, 0)),
            pl.BlockSpec((_TB, feat), lambda i: (i, 0)),
        ] + [vmem] * 8 + [vmem] * 2,
        out_specs=[
            pl.BlockSpec((_TB, _H * _UNITS), lambda i: (i, 0)),
            pl.BlockSpec((_E, _TB, _UNITS), lambda i: (0, i, 0)),
        ],
        out_shape=[
            jax.ShapeDtypeStruct((B, _H * _UNITS), jnp.float32),
            jax.ShapeDtypeStruct((_E, B, _UNITS), jnp.float32),
        ],
        compiler_params=pltpu.CompilerParams(
            dimension_semantics=("parallel",)),
    )(inputs, feature_input, *Wb, wg2, gwn)

    return out, jnp.transpose(eo_t, (1, 2, 0))

# --- scband reference (transcript-rebuilt; emitter-appended) ---
"""Pipeline reference for scband-gat-gcn-7722351198589 (READ-ONLY COPY).

The authoritative reference and input builder live on the scoring server;
editing this copy changes nothing except your own understanding.
"""

import jax, jax.numpy as jnp
import numpy as np

DIMS = [512, 512, 512, 256, 1536, 3072, 1120, 919]
UNITS = 1024
E = 8
H = 8
FEAT = 954
B = 4096
TOPK = 4


def setup_inputs(seed: int = 0) -> dict:
    key = jax.random.key(seed)
    ks = jax.random.split(key, 8 + 10)
    inp = {}
    inp['feature_input'] = jax.random.normal(ks[0], (B, FEAT), dtype=jnp.float32)
    inp['inputs'] = jax.random.normal(ks[1], (B, sum(DIMS)), dtype=jnp.float32)
    for i, d in enumerate(DIMS):
        inp['W%d' % i] = jax.random.normal(ks[2 + i], (d, UNITS), dtype=jnp.float32) * 0.02
    inp['b'] = jnp.zeros((E, UNITS), dtype=jnp.float32)
    inp['bn_gamma'] = jnp.ones((E, UNITS), dtype=jnp.float32)
    inp['bn_beta'] = jnp.zeros((E, UNITS), dtype=jnp.float32)
    inp['expert_bias'] = jnp.zeros((E, UNITS), dtype=jnp.float32)
    inp['Wg'] = jax.random.normal(ks[10], (H, FEAT, E), dtype=jnp.float32) * 0.02
    inp['bg'] = jnp.zeros((H, E), dtype=jnp.float32)
    inp['gating_bias'] = jnp.zeros((H, E), dtype=jnp.float32)
    inp['global_weights'] = jnp.ones((E,), dtype=jnp.float32)
    return inp


def reference(feature_input, inputs, W0, W1, W2, W3, W4, W5, W6, W7,
              b, bn_gamma, bn_beta, expert_bias, Wg, bg, gating_bias, global_weights):
    Ws = [W0, W1, W2, W3, W4, W5, W6, W7]
    splits = list(np.cumsum(DIMS)[:-1])
    chunks = jnp.split(inputs, splits, axis=-1)
    expert_outputs = []
    inv_std = 1.0 / np.sqrt(1.0 + 1e-5)  # BatchNorm1d eval: running_mean=0, running_var=1
    for i in range(E):
        h = chunks[i] @ Ws[i] + b[i]
        h = (h * inv_std) * bn_gamma[i] + bn_beta[i]
        h = jnp.maximum(h, 0.0)  # ReLU inside Sequential (Dropout is identity in eval)
        h = h + expert_bias[i]
        h = jnp.where(h >= 0, h, 0.01 * h)  # LeakyReLU expert_activation
        expert_outputs.append(h)
    eo = jnp.stack(expert_outputs, axis=-1)  # [B, units, E]
    gwn = jax.nn.softmax(global_weights / 0.01)
    heads = []
    for i in range(H):
        g = feature_input @ Wg[i] + bg[i]
        g = g + gating_bias[i]
        g = jnp.maximum(g, 0.0)  # ReLU gating_activation
        weighted = g * gwn
        vals, idx = jax.lax.top_k(weighted, TOPK)
        nv = jax.nn.softmax(vals / 0.01, axis=-1)
        idx_b = jnp.broadcast_to(idx[:, None, :], (eo.shape[0], eo.shape[1], TOPK))
        sel = jnp.take_along_axis(eo, idx_b, axis=-1)
        heads.append(jnp.sum(sel * nv[:, None, :], axis=-1))
    output = jnp.concatenate(heads, axis=-1)
    return output, eo

if __name__ == "__main__":
    import jax
    _d = setup_inputs()
    print(jax.jit(kernel)(*tuple(_d.values())))

</pallas_src>

<mosaic_0001>
module attributes {stable_mosaic.version = 14 : i64} {
  func.func @_body(%arg0: i32, %arg1: memref<128x8439xf32, #tpu.memory_space<vmem>>, %arg2: memref<128x954xf32, #tpu.memory_space<vmem>>, %arg3: memref<512x1024xbf16, #tpu.memory_space<vmem>>, %arg4: memref<512x1024xbf16, #tpu.memory_space<vmem>>, %arg5: memref<512x1024xbf16, #tpu.memory_space<vmem>>, %arg6: memref<256x1024xbf16, #tpu.memory_space<vmem>>, %arg7: memref<1536x1024xbf16, #tpu.memory_space<vmem>>, %arg8: memref<3072x1024xbf16, #tpu.memory_space<vmem>>, %arg9: memref<1120x1024xbf16, #tpu.memory_space<vmem>>, %arg10: memref<1015x1024xbf16, #tpu.memory_space<vmem>>, %arg11: memref<954x64xbf16, #tpu.memory_space<vmem>>, %arg12: memref<1x64xf32, #tpu.memory_space<vmem>>, %arg13: memref<128x8192xf32, #tpu.memory_space<vmem>>, %arg14: memref<8x128x1024xf32, #tpu.memory_space<vmem>>) attributes {dimension_semantics = [#tpu.dimension_semantics<parallel>], iteration_bounds = array<i64: 32>, scalar_prefetch = 0 : i64, scratch_operands = 0 : i64, tpu.core_type = #tpu.core_type<tc>, window_params = [{transform_indices = @transform_0, window_bounds = array<i64: 128, 8439>}, {transform_indices = @transform_1, window_bounds = array<i64: 128, 954>}, {pipeline_mode = #tpu.pipeline_mode<synchronous>, transform_indices = @transform_2, window_bounds = array<i64: 512, 1024>}, {pipeline_mode = #tpu.pipeline_mode<synchronous>, transform_indices = @transform_3, window_bounds = array<i64: 512, 1024>}, {pipeline_mode = #tpu.pipeline_mode<synchronous>, transform_indices = @transform_4, window_bounds = array<i64: 512, 1024>}, {pipeline_mode = #tpu.pipeline_mode<synchronous>, transform_indices = @transform_5, window_bounds = array<i64: 256, 1024>}, {pipeline_mode = #tpu.pipeline_mode<synchronous>, transform_indices = @transform_6, window_bounds = array<i64: 1536, 1024>}, {pipeline_mode = #tpu.pipeline_mode<synchronous>, transform_indices = @transform_7, window_bounds = array<i64: 3072, 1024>}, {pipeline_mode = #tpu.pipeline_mode<synchronous>, transform_indices = @transform_8, window_bounds = array<i64: 1120, 1024>}, {pipeline_mode = #tpu.pipeline_mode<synchronous>, transform_indices = @transform_9, window_bounds = array<i64: 1015, 1024>}, {pipeline_mode = #tpu.pipeline_mode<synchronous>, transform_indices = @transform_10, window_bounds = array<i64: 954, 64>}, {pipeline_mode = #tpu.pipeline_mode<synchronous>, transform_indices = @transform_11, window_bounds = array<i64: 1, 64>}, {transform_indices = @transform_12, window_bounds = array<i64: 128, 8192>}, {transform_indices = @transform_13, window_bounds = array<i64: 8, 128, 1024>}]} {
    %get3A = arith.constant 0 : index
    %get3A_0 = arith.constant 0 : index
    %get3A_1 = vector.load %arg1[%get3A, %get3A_0] : memref<128x8439xf32, #tpu.memory_space<vmem>>, vector<128x8439xf32>
    %convert_element_type3A = arith.truncf %get3A_1 : vector<128x8439xf32> to vector<128x8439xbf16>
    %slice3A = vector.extract_strided_slice %convert_element_type3A {offsets = [0, 0], sizes = [128, 512], strides = [1, 1]} : vector<128x8439xbf16> to vector<128x512xbf16>
    %get3A_2 = arith.constant 0 : index
    %get3A_3 = arith.constant 0 : index
    %get3A_4 = vector.load %arg3[%get3A_2, %get3A_3] : memref<512x1024xbf16, #tpu.memory_space<vmem>>, vector<512x1024xbf16>
    %dot_general3A = arith.constant dense<0.000000e+00> : vector<128x1024xf32>
    %dot_general3A_5 = tpu.matmul %slice3A, %get3A_4, %dot_general3A {dimension_numbers = #tpu.dot_dimension_numbers<[1], [0], [0], [1], [0, 0, 1, 1], [], []>, transpose_lhs_hint = false} : vector<128x512xbf16>, vector<512x1024xbf16>, vector<128x1024xf32> -> vector<128x1024xf32>
    %max3A = arith.constant 0.000000e+00 : f32
    %max3A_6 = vector.broadcast %max3A : f32 to vector<128x1024xf32>
    %max3A_7 = arith.maximumf %dot_general3A_5, %max3A_6 : vector<128x1024xf32>
    %swap3A = arith.constant 0 : index
    %swap3A_8 = arith.constant 0 : index
    %swap3A_9 = arith.constant 0 : index
    %swap3A_10 = vector.load %arg14[%swap3A, %swap3A_8, %swap3A_9] : memref<8x128x1024xf32, #tpu.memory_space<vmem>>, vector<1x128x1024xf32>
    %swap3A_11 = vector.shape_cast %swap3A_10 : vector<1x128x1024xf32> to vector<128x1024xf32>
    %swap3A_12 = vector.shape_cast %max3A_7 : vector<128x1024xf32> to vector<1x128x1024xf32>
    tpu.vector_store %arg14[%swap3A, %swap3A_8, %swap3A_9], %swap3A_12 {strides = array<i32>} : memref<8x128x1024xf32, #tpu.memory_space<vmem>>, vector<1x128x1024xf32>,
    %convert_element_type3A_13 = arith.truncf %max3A_7 : vector<128x1024xf32> to vector<128x1024xbf16>
    %slice3A_14 = vector.extract_strided_slice %convert_element_type3A {offsets = [0, 512], sizes = [128, 512], strides = [1, 1]} : vector<128x8439xbf16> to vector<128x512xbf16>
    %get3A_15 = arith.constant 0 : index
    %get3A_16 = arith.constant 0 : index
    %get3A_17 = vector.load %arg4[%get3A_15, %get3A_16] : memref<512x1024xbf16, #tpu.memory_space<vmem>>, vector<512x1024xbf16>
    %dot_general3A_18 = arith.constant dense<0.000000e+00> : vector<128x1024xf32>
    %dot_general3A_19 = tpu.matmul %slice3A_14, %get3A_17, %dot_general3A_18 {dimension_numbers = #tpu.dot_dimension_numbers<[1], [0], [0], [1], [0, 0, 1, 1], [], []>, transpose_lhs_hint = false} : vector<128x512xbf16>, vector<512x1024xbf16>, vector<128x1024xf32> -> vector<128x1024xf32>
    %max3A_20 = arith.constant 0.000000e+00 : f32
    %max3A_21 = vector.broadcast %max3A_20 : f32 to vector<128x1024xf32>
    %max3A_22 = arith.maximumf %dot_general3A_19, %max3A_21 : vector<128x1024xf32>
    %swap3A_23 = arith.constant 1 : index
    %swap3A_24 = arith.constant 0 : index
    %swap3A_25 = arith.constant 0 : index
    %swap3A_26 = vector.load %arg14[%swap3A_23, %swap3A_24, %swap3A_25] : memref<8x128x1024xf32, #tpu.memory_space<vmem>>, vector<1x128x1024xf32>
    %swap3A_27 = vector.shape_cast %swap3A_26 : vector<1x128x1024xf32> to vector<128x1024xf32>
    %swap3A_28 = vector.shape_cast %max3A_22 : vector<128x1024xf32> to vector<1x128x1024xf32>
    tpu.vector_store %arg14[%swap3A_23, %swap3A_24, %swap3A_25], %swap3A_28 {strides = array<i32>} : memref<8x128x1024xf32, #tpu.memory_space<vmem>>, vector<1x128x1024xf32>,
    %convert_element_type3A_29 = arith.truncf %max3A_22 : vector<128x1024xf32> to vector<128x1024xbf16>
    %slice3A_30 = vector.extract_strided_slice %convert_element_type3A {offsets = [0, 1024], sizes = [128, 512], strides = [1, 1]} : vector<128x8439xbf16> to vector<128x512xbf16>
    %get3A_31 = arith.constant 0 : index
    %get3A_32 = arith.constant 0 : index
    %get3A_33 = vector.load %arg5[%get3A_31, %get3A_32] : memref<512x1024xbf16, #tpu.memory_space<vmem>>, vector<512x1024xbf16>
    %dot_general3A_34 = arith.constant dense<0.000000e+00> : vector<128x1024xf32>
    %dot_general3A_35 = tpu.matmul %slice3A_30, %get3A_33, %dot_general3A_34 {dimension_numbers = #tpu.dot_dimension_numbers<[1], [0], [0], [1], [0, 0, 1, 1], [], []>, transpose_lhs_hint = false} : vector<128x512xbf16>, vector<512x1024xbf16>, vector<128x1024xf32> -> vector<128x1024xf32>
    %max3A_36 = arith.constant 0.000000e+00 : f32
    %max3A_37 = vector.broadcast %max3A_36 : f32 to vector<128x1024xf32>
    %max3A_38 = arith.maximumf %dot_general3A_35, %max3A_37 : vector<128x1024xf32>
    %swap3A_39 = arith.constant 2 : index
    %swap3A_40 = arith.constant 0 : index
    %swap3A_41 = arith.constant 0 : index
    %swap3A_42 = vector.load %arg14[%swap3A_39, %swap3A_40, %swap3A_41] : memref<8x128x1024xf32, #tpu.memory_space<vmem>>, vector<1x128x1024xf32>
    %swap3A_43 = vector.shape_cast %swap3A_42 : vector<1x128x1024xf32> to vector<128x1024xf32>
    %swap3A_44 = vector.shape_cast %max3A_38 : vector<128x1024xf32> to vector<1x128x1024xf32>
    tpu.vector_store %arg14[%swap3A_39, %swap3A_40, %swap3A_41], %swap3A_44 {strides = array<i32>} : memref<8x128x1024xf32, #tpu.memory_space<vmem>>, vector<1x128x1024xf32>,
    %convert_element_type3A_45 = arith.truncf %max3A_38 : vector<128x1024xf32> to vector<128x1024xbf16>
    %slice3A_46 = vector.extract_strided_slice %convert_element_type3A {offsets = [0, 1536], sizes = [128, 256], strides = [1, 1]} : vector<128x8439xbf16> to vector<128x256xbf16>
    %get3A_47 = arith.constant 0 : index
    %get3A_48 = arith.constant 0 : index
    %get3A_49 = vector.load %arg6[%get3A_47, %get3A_48] : memref<256x1024xbf16, #tpu.memory_space<vmem>>, vector<256x1024xbf16>
    %dot_general3A_50 = arith.constant dense<0.000000e+00> : vector<128x1024xf32>
    %dot_general3A_51 = tpu.matmul %slice3A_46, %get3A_49, %dot_general3A_50 {dimension_numbers = #tpu.dot_dimension_numbers<[1], [0], [0], [1], [0, 0, 1, 1], [], []>, transpose_lhs_hint = false} : vector<128x256xbf16>, vector<256x1024xbf16>, vector<128x1024xf32> -> vector<128x1024xf32>
    %max3A_52 = arith.constant 0.000000e+00 : f32
    %max3A_53 = vector.broadcast %max3A_52 : f32 to vector<128x1024xf32>
    %max3A_54 = arith.maximumf %dot_general3A_51, %max3A_53 : vector<128x1024xf32>
    %swap3A_55 = arith.constant 3 : index
    %swap3A_56 = arith.constant 0 : index
    %swap3A_57 = arith.constant 0 : index
    %swap3A_58 = vector.load %arg14[%swap3A_55, %swap3A_56, %swap3A_57] : memref<8x128x1024xf32, #tpu.memory_space<vmem>>, vector<1x128x1024xf32>
    %swap3A_59 = vector.shape_cast %swap3A_58 : vector<1x128x1024xf32> to vector<128x1024xf32>
    %swap3A_60 = vector.shape_cast %max3A_54 : vector<128x1024xf32> to vector<1x128x1024xf32>
    tpu.vector_store %arg14[%swap3A_55, %swap3A_56, %swap3A_57], %swap3A_60 {strides = array<i32>} : memref<8x128x1024xf32, #tpu.memory_space<vmem>>, vector<1x128x1024xf32>,
    %convert_element_type3A_61 = arith.truncf %max3A_54 : vector<128x1024xf32> to vector<128x1024xbf16>
    %slice3A_62 = vector.extract_strided_slice %convert_element_type3A {offsets = [0, 1792], sizes = [128, 1536], strides = [1, 1]} : vector<128x8439xbf16> to vector<128x1536xbf16>
    %get3A_63 = arith.constant 0 : index
    %get3A_64 = arith.constant 0 : index
    %get3A_65 = vector.load %arg7[%get3A_63, %get3A_64] : memref<1536x1024xbf16, #tpu.memory_space<vmem>>, vector<1536x1024xbf16>
    %dot_general3A_66 = arith.constant dense<0.000000e+00> : vector<128x1024xf32>
    %dot_general3A_67 = tpu.matmul %slice3A_62, %get3A_65, %dot_general3A_66 {dimension_numbers = #tpu.dot_dimension_numbers<[1], [0], [0], [1], [0, 0, 1, 1], [], []>, transpose_lhs_hint = false} : vector<128x1536xbf16>, vector<1536x1024xbf16>, vector<128x1024xf32> -> vector<128x1024xf32>
    %max3A_68 = arith.constant 0.000000e+00 : f32
    %max3A_69 = vector.broadcast %max3A_68 : f32 to vector<128x1024xf32>
    %max3A_70 = arith.maximumf %dot_general3A_67, %max3A_69 : vector<128x1024xf32>
    %swap3A_71 = arith.constant 4 : index
    %swap3A_72 = arith.constant 0 : index
    %swap3A_73 = arith.constant 0 : index
    %swap3A_74 = vector.load %arg14[%swap3A_71, %swap3A_72, %swap3A_73] : memref<8x128x1024xf32, #tpu.memory_space<vmem>>, vector<1x128x1024xf32>
    %swap3A_75 = vector.shape_cast %swap3A_74 : vector<1x128x1024xf32> to vector<128x1024xf32>
    %swap3A_76 = vector.shape_cast %max3A_70 : vector<128x1024xf32> to vector<1x128x1024xf32>
    tpu.vector_store %arg14[%swap3A_71, %swap3A_72, %swap3A_73], %swap3A_76 {strides = array<i32>} : memref<8x128x1024xf32, #tpu.memory_space<vmem>>, vector<1x128x1024xf32>,
    %convert_element_type3A_77 = arith.truncf %max3A_70 : vector<128x1024xf32> to vector<128x1024xbf16>
    %slice3A_78 = vector.extract_strided_slice %convert_element_type3A {offsets = [0, 3328], sizes = [128, 3072], strides = [1, 1]} : vector<128x8439xbf16> to vector<128x3072xbf16>
    %get3A_79 = arith.constant 0 : index
    %get3A_80 = arith.constant 0 : index
    %get3A_81 = vector.load %arg8[%get3A_79, %get3A_80] : memref<3072x1024xbf16, #tpu.memory_space<vmem>>, vector<3072x1024xbf16>
    %dot_general3A_82 = arith.constant dense<0.000000e+00> : vector<128x1024xf32>
    %dot_general3A_83 = tpu.matmul %slice3A_78, %get3A_81, %dot_general3A_82 {dimension_numbers = #tpu.dot_dimension_numbers<[1], [0], [0], [1], [0, 0, 1, 1], [], []>, transpose_lhs_hint = false} : vector<128x3072xbf16>, vector<3072x1024xbf16>, vector<128x1024xf32> -> vector<128x1024xf32>
    %max3A_84 = arith.constant 0.000000e+00 : f32
    %max3A_85 = vector.broadcast %max3A_84 : f32 to vector<128x1024xf32>
    %max3A_86 = arith.maximumf %dot_general3A_83, %max3A_85 : vector<128x1024xf32>
    %swap3A_87 = arith.constant 5 : index
    %swap3A_88 = arith.constant 0 : index
    %swap3A_89 = arith.constant 0 : index
    %swap3A_90 = vector.load %arg14[%swap3A_87, %swap3A_88, %swap3A_89] : memref<8x128x1024xf32, #tpu.memory_space<vmem>>, vector<1x128x1024xf32>
    %swap3A_91 = vector.shape_cast %swap3A_90 : vector<1x128x1024xf32> to vector<128x1024xf32>
    %swap3A_92 = vector.shape_cast %max3A_86 : vector<128x1024xf32> to vector<1x128x1024xf32>
    tpu.vector_store %arg14[%swap3A_87, %swap3A_88, %swap3A_89], %swap3A_92 {strides = array<i32>} : memref<8x128x1024xf32, #tpu.memory_space<vmem>>, vector<1x128x1024xf32>,
    %convert_element_type3A_93 = arith.truncf %max3A_86 : vector<128x1024xf32> to vector<128x1024xbf16>
    %slice3A_94 = vector.extract_strided_slice %convert_element_type3A {offsets = [0, 6400], sizes = [128, 1120], strides = [1, 1]} : vector<128x8439xbf16> to vector<128x1120xbf16>
    %get3A_95 = arith.constant 0 : index
    %get3A_96 = arith.constant 0 : index
    %get3A_97 = vector.load %arg9[%get3A_95, %get3A_96] : memref<1120x1024xbf16, #tpu.memory_space<vmem>>, vector<1120x1024xbf16>
    %dot_general3A_98 = arith.constant dense<0.000000e+00> : vector<128x1024xf32>
    %dot_general3A_99 = tpu.matmul %slice3A_94, %get3A_97, %dot_general3A_98 {dimension_numbers = #tpu.dot_dimension_numbers<[1], [0], [0], [1], [0, 0, 1, 1], [], []>, transpose_lhs_hint = false} : vector<128x1120xbf16>, vector<1120x1024xbf16>, vector<128x1024xf32> -> vector<128x1024xf32>
    %max3A_100 = arith.constant 0.000000e+00 : f32
    %max3A_101 = vector.broadcast %max3A_100 : f32 to vector<128x1024xf32>
    %max3A_102 = arith.maximumf %dot_general3A_99, %max3A_101 : vector<128x1024xf32>
    %swap3A_103 = arith.constant 6 : index
    %swap3A_104 = arith.constant 0 : index
    %swap3A_105 = arith.constant 0 : index
    %swap3A_106 = vector.load %arg14[%swap3A_103, %swap3A_104, %swap3A_105] : memref<8x128x1024xf32, #tpu.memory_space<vmem>>, vector<1x128x1024xf32>
    %swap3A_107 = vector.shape_cast %swap3A_106 : vector<1x128x1024xf32> to vector<128x1024xf32>
    %swap3A_108 = vector.shape_cast %max3A_102 : vector<128x1024xf32> to vector<1x128x1024xf32>
    tpu.vector_store %arg14[%swap3A_103, %swap3A_104, %swap3A_105], %swap3A_108 {strides = array<i32>} : memref<8x128x1024xf32, #tpu.memory_space<vmem>>, vector<1x128x1024xf32>,
    %convert_element_type3A_109 = arith.truncf %max3A_102 : vector<128x1024xf32> to vector<128x1024xbf16>
    %slice3A_110 = vector.extract_strided_slice %convert_element_type3A {offsets = [0, 7424], sizes = [128, 1015], strides = [1, 1]} : vector<128x8439xbf16> to vector<128x1015xbf16>
    %get3A_111 = arith.constant 0 : index
    %get3A_112 = arith.constant 0 : index
    %get3A_113 = vector.load %arg10[%get3A_111, %get3A_112] : memref<1015x1024xbf16, #tpu.memory_space<vmem>>, vector<1015x1024xbf16>
    %dot_general3A_114 = arith.constant dense<0.000000e+00> : vector<128x1024xf32>
    %dot_general3A_115 = tpu.matmul %slice3A_110, %get3A_113, %dot_general3A_114 {dimension_numbers = #tpu.dot_dimension_numbers<[1], [0], [0], [1], [0, 0, 1, 1], [], []>, transpose_lhs_hint = false} : vector<128x1015xbf16>, vector<1015x1024xbf16>, vector<128x1024xf32> -> vector<128x1024xf32>
    %max3A_116 = arith.constant 0.000000e+00 : f32
    %max3A_117 = vector.broadcast %max3A_116 : f32 to vector<128x1024xf32>
    %max3A_118 = arith.maximumf %dot_general3A_115, %max3A_117 : vector<128x1024xf32>
    %swap3A_119 = arith.constant 7 : index
    %swap3A_120 = arith.constant 0 : index
    %swap3A_121 = arith.constant 0 : index
    %swap3A_122 = vector.load %arg14[%swap3A_119, %swap3A_120, %swap3A_121] : memref<8x128x1024xf32, #tpu.memory_space<vmem>>, vector<1x128x1024xf32>
    %swap3A_123 = vector.shape_cast %swap3A_122 : vector<1x128x1024xf32> to vector<128x1024xf32>
    %swap3A_124 = vector.shape_cast %max3A_118 : vector<128x1024xf32> to vector<1x128x1024xf32>
    tpu.vector_store %arg14[%swap3A_119, %swap3A_120, %swap3A_121], %swap3A_124 {strides = array<i32>} : memref<8x128x1024xf32, #tpu.memory_space<vmem>>, vector<1x128x1024xf32>,
    %convert_element_type3A_125 = arith.truncf %max3A_118 : vector<128x1024xf32> to vector<128x1024xbf16>
    %get3A_126 = arith.constant 0 : index
    %get3A_127 = arith.constant 0 : index
    %get3A_128 = vector.load %arg2[%get3A_126, %get3A_127] : memref<128x954xf32, #tpu.memory_space<vmem>>, vector<128x954xf32>
    %convert_element_type3A_129 = arith.truncf %get3A_128 : vector<128x954xf32> to vector<128x954xbf16>
    %get3A_130 = arith.constant 0 : index
    %get3A_131 = arith.constant 0 : index
    %get3A_132 = vector.load %arg11[%get3A_130, %get3A_131] : memref<954x64xbf16, #tpu.memory_space<vmem>>, vector<954x64xbf16>
    %dot_general3A_133 = arith.constant dense<0.000000e+00> : vector<128x64xf32>
    %dot_general3A_134 = tpu.matmul %convert_element_type3A_129, %get3A_132, %dot_general3A_133 {dimension_numbers = #tpu.dot_dimension_numbers<[1], [0], [0], [1], [0, 0, 1, 1], [], []>, transpose_lhs_hint = false} : vector<128x954xbf16>, vector<954x64xbf16>, vector<128x64xf32> -> vector<128x64xf32>
    %max3A_135 = arith.constant 0.000000e+00 : f32
    %max3A_136 = vector.broadcast %max3A_135 : f32 to vector<128x64xf32>
    %max3A_137 = arith.maximumf %dot_general3A_134, %max3A_136 : vector<128x64xf32>
    %get3A_138 = arith.constant 0 : index
    %get3A_139 = arith.constant 0 : index
    %get3A_140 = vector.load %arg12[%get3A_138, %get3A_139] : memref<1x64xf32, #tpu.memory_space<vmem>>, vector<1x64xf32>
    %get3A_141 = vector.shape_cast %get3A_140 : vector<1x64xf32> to vector<64xf32>
    %broadcast_in_dim3A = vector.shape_cast %get3A_141 : vector<64xf32> to vector<1x64xf32>
    %mul3A = vector.broadcast %broadcast_in_dim3A : vector<1x64xf32> to vector<128x64xf32>
    %mul3A_142 = arith.mulf %max3A_137, %mul3A : vector<128x64xf32>
    %iota3A = tpu.iota {dimensions = array<i32: 1>} : vector<1x64xi32>
    %jit3A = arith.constant 8 : i32
    %eq3A = arith.constant 0 : i32
    %eq3A_143 = arith.cmpi eq, %jit3A, %eq3A : i32
    %jit3A_144 = arith.constant 1 : i32
    %select_n3A = arith.select %eq3A_143, %jit3A_144, %jit3A : i32
    %rem3A = vector.broadcast %select_n3A : i32 to vector<1x64xi32>
    %rem3A_145 = arith.remsi %iota3A, %rem3A : vector<1x64xi32>
    %ne3A = arith.constant 0 : i32
    %ne3A_146 = vector.broadcast %ne3A : i32 to vector<1x64xi32>
    %ne3A_147 = arith.cmpi ne, %rem3A_145, %ne3A_146 : vector<1x64xi32>
    %lt3A = arith.constant 0 : i32
    %lt3A_148 = vector.broadcast %lt3A : i32 to vector<1x64xi32>
    %lt3A_149 = arith.cmpi slt, %rem3A_145, %lt3A_148 : vector<1x64xi32>
    %lt3A_150 = arith.constant 0 : i32
    %lt3A_151 = arith.cmpi slt, %select_n3A, %lt3A_150 : i32
    %ne3A_152 = vector.broadcast %lt3A_151 : i1 to vector<1x64xi1>
    %ne3A_153 = vector.broadcast %ne3A_152 : vector<1x64xi1> to vector<1x64xi1>
    %ne3A_154 = arith.xori %lt3A_149, %ne3A_153 : vector<1x64xi1>
    %and3A = arith.andi %ne3A_154, %ne3A_147 : vector<1x64xi1>
    %add3A = vector.broadcast %select_n3A : i32 to vector<1x64xi32>
    %add3A_155 = arith.addi %rem3A_145, %add3A : vector<1x64xi32>
    %select_n3A_156 = arith.select %and3A, %add3A_155, %rem3A_145 : vector<1x64xi1>, vector<1x64xi32>
    %ge3A = arith.constant 1 : i32
    %ge3A_157 = vector.broadcast %ge3A : i32 to vector<1x64xi32>
    %ge3A_158 = arith.cmpi sge, %select_n3A_156, %ge3A_157 : vector<1x64xi32>
    %le3A = arith.constant 6 : i32
    %le3A_159 = vector.broadcast %le3A : i32 to vector<1x64xi32>
    %le3A_160 = arith.cmpi sle, %select_n3A_156, %le3A_159 : vector<1x64xi32>
    %slice3A_161 = vector.extract_strided_slice %mul3A_142 {offsets = [0, 63], sizes = [128, 1], strides = [1, 1]} : vector<128x64xf32> to vector<128x1xf32>
    %slice3A_162 = vector.extract_strided_slice %mul3A_142 {offsets = [0, 0], sizes = [128, 63], strides = [1, 1]} : vector<128x64xf32> to vector<128x63xf32>
    %concatenate3A = tpu.concatenate %slice3A_161, %slice3A_162 in 1 : vector<128x1xf32>, vector<128x63xf32> -> vector<128x64xf32>
    %ge3A_163 = arith.cmpf oge, %concatenate3A, %mul3A_142 : vector<128x64xf32>
    %and3A_164 = vector.broadcast %ge3A_158 : vector<1x64xi1> to vector<128x64xi1>
    %and3A_165 = arith.andi %and3A_164, %ge3A_163 : vector<128x64xi1>
    %convert_element_type3A_166 = arith.extui %and3A_165 : vector<128x64xi1> to vector<128x64xi32>
    %convert_element_type3A_167 = arith.sitofp %convert_element_type3A_166 : vector<128x64xi32> to vector<128x64xf32>
    %slice3A_168 = vector.extract_strided_slice %mul3A_142 {offsets = [0, 1], sizes = [128, 63], strides = [1, 1]} : vector<128x64xf32> to vector<128x63xf32>
    %slice3A_169 = vector.extract_strided_slice %mul3A_142 {offsets = [0, 0], sizes = [128, 1], strides = [1, 1]} : vector<128x64xf32> to vector<128x1xf32>
    %concatenate3A_170 = tpu.concatenate %slice3A_168, %slice3A_169 in 1 : vector<128x63xf32>, vector<128x1xf32> -> vector<128x64xf32>
    %gt3A = arith.cmpf ogt, %concatenate3A_170, %mul3A_142 : vector<128x64xf32>
    %and3A_171 = vector.broadcast %le3A_160 : vector<1x64xi1> to vector<128x64xi1>
    %and3A_172 = arith.andi %and3A_171, %gt3A : vector<128x64xi1>
    %convert_element_type3A_173 = arith.extui %and3A_172 : vector<128x64xi1> to vector<128x64xi32>
    %convert_element_type3A_174 = arith.sitofp %convert_element_type3A_173 : vector<128x64xi32> to vector<128x64xf32>
    %add3A_175 = arith.addf %convert_element_type3A_167, %convert_element_type3A_174 : vector<128x64xf32>
    %ge3A_176 = arith.constant 2 : i32
    %ge3A_177 = vector.broadcast %ge3A_176 : i32 to vector<1x64xi32>
    %ge3A_178 = arith.cmpi sge, %select_n3A_156, %ge3A_177 : vector<1x64xi32>
    %le3A_179 = arith.constant 5 : i32
    %le3A_180 = vector.broadcast %le3A_179 : i32 to vector<1x64xi32>
    %le3A_181 = arith.cmpi sle, %select_n3A_156, %le3A_180 : vector<1x64xi32>
    %slice3A_182 = vector.extract_strided_slice %mul3A_142 {offsets = [0, 62], sizes = [128, 2], strides = [1, 1]} : vector<128x64xf32> to vector<128x2xf32>
    %slice3A_183 = vector.extract_strided_slice %mul3A_142 {offsets = [0, 0], sizes = [128, 62], strides = [1, 1]} : vector<128x64xf32> to vector<128x62xf32>
    %concatenate3A_184 = tpu.concatenate %slice3A_182, %slice3A_183 in 1 : vector<128x2xf32>, vector<128x62xf32> -> vector<128x64xf32>
    %ge3A_185 = arith.cmpf oge, %concatenate3A_184, %mul3A_142 : vector<128x64xf32>
    %and3A_186 = vector.broadcast %ge3A_178 : vector<1x64xi1> to vector<128x64xi1>
    %and3A_187 = arith.andi %and3A_186, %ge3A_185 : vector<128x64xi1>
    %convert_element_type3A_188 = arith.extui %and3A_187 : vector<128x64xi1> to vector<128x64xi32>
    %convert_element_type3A_189 = arith.sitofp %convert_element_type3A_188 : vector<128x64xi32> to vector<128x64xf32>
    %slice3A_190 = vector.extract_strided_slice %mul3A_142 {offsets = [0, 2], sizes = [128, 62], strides = [1, 1]} : vector<128x64xf32> to vector<128x62xf32>
    %slice3A_191 = vector.extract_strided_slice %mul3A_142 {offsets = [0, 0], sizes = [128, 2], strides = [1, 1]} : vector<128x64xf32> to vector<128x2xf32>
    %concatenate3A_192 = tpu.concatenate %slice3A_190, %slice3A_191 in 1 : vector<128x62xf32>, vector<128x2xf32> -> vector<128x64xf32>
    %gt3A_193 = arith.cmpf ogt, %concatenate3A_192, %mul3A_142 : vector<128x64xf32>
    %and3A_194 = vector.broadcast %le3A_181 : vector<1x64xi1> to vector<128x64xi1>
    %and3A_195 = arith.andi %and3A_194, %gt3A_193 : vector<128x64xi1>
    %convert_element_type3A_196 = arith.extui %and3A_195 : vector<128x64xi1> to vector<128x64xi32>
    %convert_element_type3A_197 = arith.sitofp %convert_element_type3A_196 : vector<128x64xi32> to vector<128x64xf32>
    %add3A_198 = arith.addf %add3A_175, %convert_element_type3A_189 : vector<128x64xf32>
    %add3A_199 = arith.addf %add3A_198, %convert_element_type3A_197 : vector<128x64xf32>
    %ge3A_200 = arith.constant 3 : i32
    %ge3A_201 = vector.broadcast %ge3A_200 : i32 to vector<1x64xi32>
    %ge3A_202 = arith.cmpi sge, %select_n3A_156, %ge3A_201 : vector<1x64xi32>
    %le3A_203 = arith.constant 4 : i32
    %le3A_204 = vector.broadcast %le3A_203 : i32 to vector<1x64xi32>
    %le3A_205 = arith.cmpi sle, %select_n3A_156, %le3A_204 : vector<1x64xi32>
    %slice3A_206 = vector.extract_strided_slice %mul3A_142 {offsets = [0, 61], sizes = [128, 3], strides = [1, 1]} : vector<128x64xf32> to vector<128x3xf32>
    %slice3A_207 = vector.extract_strided_slice %mul3A_142 {offsets = [0, 0], sizes = [128, 61], strides = [1, 1]} : vector<128x64xf32> to vector<128x61xf32>
    %concatenate3A_208 = tpu.concatenate %slice3A_206, %slice3A_207 in 1 : vector<128x3xf32>, vector<128x61xf32> -> vector<128x64xf32>
    %ge3A_209 = arith.cmpf oge, %concatenate3A_208, %mul3A_142 : vector<128x64xf32>
    %and3A_210 = vector.broadcast %ge3A_202 : vector<1x64xi1> to vector<128x64xi1>
    %and3A_211 = arith.andi %and3A_210, %ge3A_209 : vector<128x64xi1>
    %convert_element_type3A_212 = arith.extui %and3A_211 : vector<128x64xi1> to vector<128x64xi32>
    %convert_element_type3A_213 = arith.sitofp %convert_element_type3A_212 : vector<128x64xi32> to vector<128x64xf32>
    %slice3A_214 = vector.extract_strided_slice %mul3A_142 {offsets = [0, 3], sizes = [128, 61], strides = [1, 1]} : vector<128x64xf32> to vector<128x61xf32>
    %slice3A_215 = vector.extract_strided_slice %mul3A_142 {offsets = [0, 0], sizes = [128, 3], strides = [1, 1]} : vector<128x64xf32> to vector<128x3xf32>
    %concatenate3A_216 = tpu.concatenate %slice3A_214, %slice3A_215 in 1 : vector<128x61xf32>, vector<128x3xf32> -> vector<128x64xf32>
    %gt3A_217 = arith.cmpf ogt, %concatenate3A_216, %mul3A_142 : vector<128x64xf32>
    %and3A_218 = vector.broadcast %le3A_205 : vector<1x64xi1> to vector<128x64xi1>
    %and3A_219 = arith.andi %and3A_218, %gt3A_217 : vector<128x64xi1>
    %convert_element_type3A_220 = arith.extui %and3A_219 : vector<128x64xi1> to vector<128x64xi32>
    %convert_element_type3A_221 = arith.sitofp %convert_element_type3A_220 : vector<128x64xi32> to vector<128x64xf32>
    %add3A_222 = arith.addf %add3A_199, %convert_element_type3A_213 : vector<128x64xf32>
    %add3A_223 = arith.addf %add3A_222, %convert_element_type3A_221 : vector<128x64xf32>
    %ge3A_224 = arith.constant 4 : i32
    %ge3A_225 = vector.broadcast %ge3A_224 : i32 to vector<1x64xi32>
    %ge3A_226 = arith.cmpi sge, %select_n3A_156, %ge3A_225 : vector<1x64xi32>
    %le3A_227 = arith.constant 3 : i32
    %le3A_228 = vector.broadcast %le3A_227 : i32 to vector<1x64xi32>
    %le3A_229 = arith.cmpi sle, %select_n3A_156, %le3A_228 : vector<1x64xi32>
    %slice3A_230 = vector.extract_strided_slice %mul3A_142 {offsets = [0, 60], sizes = [128, 4], strides = [1, 1]} : vector<128x64xf32> to vector<128x4xf32>
    %slice3A_231 = vector.extract_strided_slice %mul3A_142 {offsets = [0, 0], sizes = [128, 60], strides = [1, 1]} : vector<128x64xf32> to vector<128x60xf32>
    %concatenate3A_232 = tpu.concatenate %slice3A_230, %slice3A_231 in 1 : vector<128x4xf32>, vector<128x60xf32> -> vector<128x64xf32>
    %ge3A_233 = arith.cmpf oge, %concatenate3A_232, %mul3A_142 : vector<128x64xf32>
    %and3A_234 = vector.broadcast %ge3A_226 : vector<1x64xi1> to vector<128x64xi1>
    %and3A_235 = arith.andi %and3A_234, %ge3A_233 : vector<128x64xi1>
    %convert_element_type3A_236 = arith.extui %and3A_235 : vector<128x64xi1> to vector<128x64xi32>
    %convert_element_type3A_237 = arith.sitofp %convert_element_type3A_236 : vector<128x64xi32> to vector<128x64xf32>
    %slice3A_238 = vector.extract_strided_slice %mul3A_142 {offsets = [0, 4], sizes = [128, 60], strides = [1, 1]} : vector<128x64xf32> to vector<128x60xf32>
    %slice3A_239 = vector.extract_strided_slice %mul3A_142 {offsets = [0, 0], sizes = [128, 4], strides = [1, 1]} : vector<128x64xf32> to vector<128x4xf32>
    %concatenate3A_240 = tpu.concatenate %slice3A_238, %slice3A_239 in 1 : vector<128x60xf32>, vector<128x4xf32> -> vector<128x64xf32>
    %gt3A_241 = arith.cmpf ogt, %concatenate3A_240, %mul3A_142 : vector<128x64xf32>
    %and3A_242 = vector.broadcast %le3A_229 : vector<1x64xi1> to vector<128x64xi1>
    %and3A_243 = arith.andi %and3A_242, %gt3A_241 : vector<128x64xi1>
    %convert_element_type3A_244 = arith.extui %and3A_243 : vector<128x64xi1> to vector<128x64xi32>
    %convert_element_type3A_245 = arith.sitofp %convert_element_type3A_244 : vector<128x64xi32> to vector<128x64xf32>
    %add3A_246 = arith.addf %add3A_223, %convert_element_type3A_237 : vector<128x64xf32>
    %add3A_247 = arith.addf %add3A_246, %convert_element_type3A_245 : vector<128x64xf32>
    %ge3A_248 = arith.constant 5 : i32
    %ge3A_249 = vector.broadcast %ge3A_248 : i32 to vector<1x64xi32>
    %ge3A_250 = arith.cmpi sge, %select_n3A_156, %ge3A_249 : vector<1x64xi32>
    %le3A_251 = arith.constant 2 : i32
    %le3A_252 = vector.broadcast %le3A_251 : i32 to vector<1x64xi32>
    %le3A_253 = arith.cmpi sle, %select_n3A_156, %le3A_252 : vector<1x64xi32>
    %slice3A_254 = vector.extract_strided_slice %mul3A_142 {offsets = [0, 59], sizes = [128, 5], strides = [1, 1]} : vector<128x64xf32> to vector<128x5xf32>
    %slice3A_255 = vector.extract_strided_slice %mul3A_142 {offsets = [0, 0], sizes = [128, 59], strides = [1, 1]} : vector<128x64xf32> to vector<128x59xf32>
    %concatenate3A_256 = tpu.concatenate %slice3A_254, %slice3A_255 in 1 : vector<128x5xf32>, vector<128x59xf32> -> vector<128x64xf32>
    %ge3A_257 = arith.cmpf oge, %concatenate3A_256, %mul3A_142 : vector<128x64xf32>
    %and3A_258 = vector.broadcast %ge3A_250 : vector<1x64xi1> to vector<128x64xi1>
    %and3A_259 = arith.andi %and3A_258, %ge3A_257 : vector<128x64xi1>
    %convert_element_type3A_260 = arith.extui %and3A_259 : vector<128x64xi1> to vector<128x64xi32>
    %convert_element_type3A_261 = arith.sitofp %convert_element_type3A_260 : vector<128x64xi32> to vector<128x64xf32>
    %slice3A_262 = vector.extract_strided_slice %mul3A_142 {offsets = [0, 5], sizes = [128, 59], strides = [1, 1]} : vector<128x64xf32> to vector<128x59xf32>
    %slice3A_263 = vector.extract_strided_slice %mul3A_142 {offsets = [0, 0], sizes = [128, 5], strides = [1, 1]} : vector<128x64xf32> to vector<128x5xf32>
    %concatenate3A_264 = tpu.concatenate %slice3A_262, %slice3A_263 in 1 : vector<128x59xf32>, vector<128x5xf32> -> vector<128x64xf32>
    %gt3A_265 = arith.cmpf ogt, %concatenate3A_264, %mul3A_142 : vector<128x64xf32>
    %and3A_266 = vector.broadcast %le3A_253 : vector<1x64xi1> to vector<128x64xi1>
    %and3A_267 = arith.andi %and3A_266, %gt3A_265 : vector<128x64xi1>
    %convert_element_type3A_268 = arith.extui %and3A_267 : vector<128x64xi1> to vector<128x64xi32>
    %convert_element_type3A_269 = arith.sitofp %convert_element_type3A_268 : vector<128x64xi32> to vector<128x64xf32>
    %add3A_270 = arith.addf %add3A_247, %convert_element_type3A_261 : vector<128x64xf32>
    %add3A_271 = arith.addf %add3A_270, %convert_element_type3A_269 : vector<128x64xf32>
    %ge3A_272 = arith.constant 6 : i32
    %ge3A_273 = vector.broadcast %ge3A_272 : i32 to vector<1x64xi32>
    %ge3A_274 = arith.cmpi sge, %select_n3A_156, %ge3A_273 : vector<1x64xi32>
    %le3A_275 = arith.constant 1 : i32
    %le3A_276 = vector.broadcast %le3A_275 : i32 to vector<1x64xi32>
    %le3A_277 = arith.cmpi sle, %select_n3A_156, %le3A_276 : vector<1x64xi32>
    %slice3A_278 = vector.extract_strided_slice %mul3A_142 {offsets = [0, 58], sizes = [128, 6], strides = [1, 1]} : vector<128x64xf32> to vector<128x6xf32>
    %slice3A_279 = vector.extract_strided_slice %mul3A_142 {offsets = [0, 0], sizes = [128, 58], strides = [1, 1]} : vector<128x64xf32> to vector<128x58xf32>
    %concatenate3A_280 = tpu.concatenate %slice3A_278, %slice3A_279 in 1 : vector<128x6xf32>, vector<128x58xf32> -> vector<128x64xf32>
    %ge3A_281 = arith.cmpf oge, %concatenate3A_280, %mul3A_142 : vector<128x64xf32>
    %and3A_282 = vector.broadcast %ge3A_274 : vector<1x64xi1> to vector<128x64xi1>
    %and3A_283 = arith.andi %and3A_282, %ge3A_281 : vector<128x64xi1>
    %convert_element_type3A_284 = arith.extui %and3A_283 : vector<128x64xi1> to vector<128x64xi32>
    %convert_element_type3A_285 = arith.sitofp %convert_element_type3A_284 : vector<128x64xi32> to vector<128x64xf32>
    %slice3A_286 = vector.extract_strided_slice %mul3A_142 {offsets = [0, 6], sizes = [128, 58], strides = [1, 1]} : vector<128x64xf32> to vector<128x58xf32>
    %slice3A_287 = vector.extract_strided_slice %mul3A_142 {offsets = [0, 0], sizes = [128, 6], strides = [1, 1]} : vector<128x64xf32> to vector<128x6xf32>
    %concatenate3A_288 = tpu.concatenate %slice3A_286, %slice3A_287 in 1 : vector<128x58xf32>, vector<128x6xf32> -> vector<128x64xf32>
    %gt3A_289 = arith.cmpf ogt, %concatenate3A_288, %mul3A_142 : vector<128x64xf32>
    %and3A_290 = vector.broadcast %le3A_277 : vector<1x64xi1> to vector<128x64xi1>
    %and3A_291 = arith.andi %and3A_290, %gt3A_289 : vector<128x64xi1>
    %convert_element_type3A_292 = arith.extui %and3A_291 : vector<128x64xi1> to vector<128x64xi32>
    %convert_element_type3A_293 = arith.sitofp %convert_element_type3A_292 : vector<128x64xi32> to vector<128x64xf32>
    %add3A_294 = arith.addf %add3A_271, %convert_element_type3A_285 : vector<128x64xf32>
    %add3A_295 = arith.addf %add3A_294, %convert_element_type3A_293 : vector<128x64xf32>
    %ge3A_296 = arith.constant 7 : i32
    %ge3A_297 = vector.broadcast %ge3A_296 : i32 to vector<1x64xi32>
    %ge3A_298 = arith.cmpi sge, %select_n3A_156, %ge3A_297 : vector<1x64xi32>
    %le3A_299 = arith.constant 0 : i32
    %le3A_300 = vector.broadcast %le3A_299 : i32 to vector<1x64xi32>
    %le3A_301 = arith.cmpi sle, %select_n3A_156, %le3A_300 : vector<1x64xi32>
    %slice3A_302 = vector.extract_strided_slice %mul3A_142 {offsets = [0, 57], sizes = [128, 7], strides = [1, 1]} : vector<128x64xf32> to vector<128x7xf32>
    %slice3A_303 = vector.extract_strided_slice %mul3A_142 {offsets = [0, 0], sizes = [128, 57], strides = [1, 1]} : vector<128x64xf32> to vector<128x57xf32>
    %concatenate3A_304 = tpu.concatenate %slice3A_302, %slice3A_303 in 1 : vector<128x7xf32>, vector<128x57xf32> -> vector<128x64xf32>
    %ge3A_305 = arith.cmpf oge, %concatenate3A_304, %mul3A_142 : vector<128x64xf32>
    %and3A_306 = vector.broadcast %ge3A_298 : vector<1x64xi1> to vector<128x64xi1>
    %and3A_307 = arith.andi %and3A_306, %ge3A_305 : vector<128x64xi1>
    %convert_element_type3A_308 = arith.extui %and3A_307 : vector<128x64xi1> to vector<128x64xi32>
    %convert_element_type3A_309 = arith.sitofp %convert_element_type3A_308 : vector<128x64xi32> to vector<128x64xf32>
    %slice3A_310 = vector.extract_strided_slice %mul3A_142 {offsets = [0, 7], sizes = [128, 57], strides = [1, 1]} : vector<128x64xf32> to vector<128x57xf32>
    %slice3A_311 = vector.extract_strided_slice %mul3A_142 {offsets = [0, 0], sizes = [128, 7], strides = [1, 1]} : vector<128x64xf32> to vector<128x7xf32>
    %concatenate3A_312 = tpu.concatenate %slice3A_310, %slice3A_311 in 1 : vector<128x57xf32>, vector<128x7xf32> -> vector<128x64xf32>
    %gt3A_313 = arith.cmpf ogt, %concatenate3A_312, %mul3A_142 : vector<128x64xf32>
    %and3A_314 = vector.broadcast %le3A_301 : vector<1x64xi1> to vector<128x64xi1>
    %and3A_315 = arith.andi %and3A_314, %gt3A_313 : vector<128x64xi1>
    %convert_element_type3A_316 = arith.extui %and3A_315 : vector<128x64xi1> to vector<128x64xi32>
    %convert_element_type3A_317 = arith.sitofp %convert_element_type3A_316 : vector<128x64xi32> to vector<128x64xf32>
    %add3A_318 = arith.addf %add3A_295, %convert_element_type3A_309 : vector<128x64xf32>
    %add3A_319 = arith.addf %add3A_318, %convert_element_type3A_317 : vector<128x64xf32>
    %lt3A_320 = arith.constant 4.000000e+00 : f32
    %lt3A_321 = vector.broadcast %lt3A_320 : f32 to vector<128x64xf32>
    %lt3A_322 = arith.cmpf olt, %add3A_319, %lt3A_321 : vector<128x64xf32>
    %and3A_323 = arith.constant 1 : i32
    %and3A_324 = vector.broadcast %and3A_323 : i32 to vector<1x64xi32>
    %and3A_325 = arith.andi %select_n3A_156, %and3A_324 : vector<1x64xi32>
    %gt3A_326 = arith.constant 0 : i32
    %gt3A_327 = vector.broadcast %gt3A_326 : i32 to vector<1x64xi32>
    %gt3A_328 = arith.cmpi sgt, %and3A_325, %gt3A_327 : vector<1x64xi32>
    %slice3A_329 = vector.extract_strided_slice %mul3A_142 {offsets = [0, 63], sizes = [128, 1], strides = [1, 1]} : vector<128x64xf32> to vector<128x1xf32>
    %slice3A_330 = vector.extract_strided_slice %mul3A_142 {offsets = [0, 0], sizes = [128, 63], strides = [1, 1]} : vector<128x64xf32> to vector<128x63xf32>
    %concatenate3A_331 = tpu.concatenate %slice3A_329, %slice3A_330 in 1 : vector<128x1xf32>, vector<128x63xf32> -> vector<128x64xf32>
    %slice3A_332 = vector.extract_strided_slice %mul3A_142 {offsets = [0, 1], sizes = [128, 63], strides = [1, 1]} : vector<128x64xf32> to vector<128x63xf32>
    %slice3A_333 = vector.extract_strided_slice %mul3A_142 {offsets = [0, 0], sizes = [128, 1], strides = [1, 1]} : vector<128x64xf32> to vector<128x1xf32>
    %concatenate3A_334 = tpu.concatenate %slice3A_332, %slice3A_333 in 1 : vector<128x63xf32>, vector<128x1xf32> -> vector<128x64xf32>
    %broadcast_in_dim3A_335 = vector.shape_cast %gt3A_328 : vector<1x64xi1> to vector<1x64xi1>
    %broadcast_in_dim3A_336 = vector.broadcast %broadcast_in_dim3A_335 : vector<1x64xi1> to vector<128x64xi1>
    %select_n3A_337 = arith.select %broadcast_in_dim3A_336, %concatenate3A_331, %concatenate3A_334 : vector<128x64xi1>, vector<128x64xf32>
    %max3A_338 = arith.maximumf %mul3A_142, %select_n3A_337 : vector<128x64xf32>
    %and3A_339 = arith.constant 2 : i32
    %and3A_340 = vector.broadcast %and3A_339 : i32 to vector<1x64xi32>
    %and3A_341 = arith.andi %select_n3A_156, %and3A_340 : vector<1x64xi32>
    %gt3A_342 = arith.constant 0 : i32
    %gt3A_343 = vector.broadcast %gt3A_342 : i32 to vector<1x64xi32>
    %gt3A_344 = arith.cmpi sgt, %and3A_341, %gt3A_343 : vector<1x64xi32>
    %slice3A_345 = vector.extract_strided_slice %max3A_338 {offsets = [0, 62], sizes = [128, 2], strides = [1, 1]} : vector<128x64xf32> to vector<128x2xf32>
    %slice3A_346 = vector.extract_strided_slice %max3A_338 {offsets = [0, 0], sizes = [128, 62], strides = [1, 1]} : vector<128x64xf32> to vector<128x62xf32>
    %concatenate3A_347 = tpu.concatenate %slice3A_345, %slice3A_346 in 1 : vector<128x2xf32>, vector<128x62xf32> -> vector<128x64xf32>
    %slice3A_348 = vector.extract_strided_slice %max3A_338 {offsets = [0, 2], sizes = [128, 62], strides = [1, 1]} : vector<128x64xf32> to vector<128x62xf32>
    %slice3A_349 = vector.extract_strided_slice %max3A_338 {offsets = [0, 0], sizes = [128, 2], strides = [1, 1]} : vector<128x64xf32> to vector<128x2xf32>
    %concatenate3A_350 = tpu.concatenate %slice3A_348, %slice3A_349 in 1 : vector<128x62xf32>, vector<128x2xf32> -> vector<128x64xf32>
    %broadcast_in_dim3A_351 = vector.shape_cast %gt3A_344 : vector<1x64xi1> to vector<1x64xi1>
    %broadcast_in_dim3A_352 = vector.broadcast %broadcast_in_dim3A_351 : vector<1x64xi1> to vector<128x64xi1>
    %select_n3A_353 = arith.select %broadcast_in_dim3A_352, %concatenate3A_347, %concatenate3A_350 : vector<128x64xi1>, vector<128x64xf32>
    %max3A_354 = arith.maximumf %max3A_338, %select_n3A_353 : vector<128x64xf32>
    %and3A_355 = arith.constant 4 : i32
    %and3A_356 = vector.broadcast %and3A_355 : i32 to vector<1x64xi32>
    %and3A_357 = arith.andi %select_n3A_156, %and3A_356 : vector<1x64xi32>
    %gt3A_358 = arith.constant 0 : i32
    %gt3A_359 = vector.broadcast %gt3A_358 : i32 to vector<1x64xi32>
    %gt3A_360 = arith.cmpi sgt, %and3A_357, %gt3A_359 : vector<1x64xi32>
    %slice3A_361 = vector.extract_strided_slice %max3A_354 {offsets = [0, 60], sizes = [128, 4], strides = [1, 1]} : vector<128x64xf32> to vector<128x4xf32>
    %slice3A_362 = vector.extract_strided_slice %max3A_354 {offsets = [0, 0], sizes = [128, 60], strides = [1, 1]} : vector<128x64xf32> to vector<128x60xf32>
    %concatenate3A_363 = tpu.concatenate %slice3A_361, %slice3A_362 in 1 : vector<128x4xf32>, vector<128x60xf32> -> vector<128x64xf32>
    %slice3A_364 = vector.extract_strided_slice %max3A_354 {offsets = [0, 4], sizes = [128, 60], strides = [1, 1]} : vector<128x64xf32> to vector<128x60xf32>
    %slice3A_365 = vector.extract_strided_slice %max3A_354 {offsets = [0, 0], sizes = [128, 4], strides = [1, 1]} : vector<128x64xf32> to vector<128x4xf32>
    %concatenate3A_366 = tpu.concatenate %slice3A_364, %slice3A_365 in 1 : vector<128x60xf32>, vector<128x4xf32> -> vector<128x64xf32>
    %broadcast_in_dim3A_367 = vector.shape_cast %gt3A_360 : vector<1x64xi1> to vector<1x64xi1>
    %broadcast_in_dim3A_368 = vector.broadcast %broadcast_in_dim3A_367 : vector<1x64xi1> to vector<128x64xi1>
    %select_n3A_369 = arith.select %broadcast_in_dim3A_368, %concatenate3A_363, %concatenate3A_366 : vector<128x64xi1>, vector<128x64xf32>
    %max3A_370 = arith.maximumf %max3A_354, %select_n3A_369 : vector<128x64xf32>
    %sub3A = arith.subf %mul3A_142, %max3A_370 : vector<128x64xf32>
    %mul3A_371 = arith.constant 1.000000e+02 : f32
    %mul3A_372 = vector.broadcast %mul3A_371 : f32 to vector<128x64xf32>
    %mul3A_373 = arith.mulf %sub3A, %mul3A_372 : vector<128x64xf32>
    %exp3A = math.exp %mul3A_373 : vector<128x64xf32>
    %jit3A_374 = arith.constant 0.000000e+00 : f32
    %broadcast_in_dim3A_375 = vector.broadcast %jit3A_374 : f32 to vector<128x64xf32>
    %select_n3A_376 = arith.select %lt3A_322, %exp3A, %broadcast_in_dim3A_375 : vector<128x64xi1>, vector<128x64xf32>
    %and3A_377 = arith.constant 1 : i32
    %and3A_378 = vector.broadcast %and3A_377 : i32 to vector<1x64xi32>
    %and3A_379 = arith.andi %select_n3A_156, %and3A_378 : vector<1x64xi32>
    %gt3A_380 = arith.constant 0 : i32
    %gt3A_381 = vector.broadcast %gt3A_380 : i32 to vector<1x64xi32>
    %gt3A_382 = arith.cmpi sgt, %and3A_379, %gt3A_381 : vector<1x64xi32>
    %slice3A_383 = vector.extract_strided_slice %select_n3A_376 {offsets = [0, 63], sizes = [128, 1], strides = [1, 1]} : vector<128x64xf32> to vector<128x1xf32>
    %slice3A_384 = vector.extract_strided_slice %select_n3A_376 {offsets = [0, 0], sizes = [128, 63], strides = [1, 1]} : vector<128x64xf32> to vector<128x63xf32>
    %concatenate3A_385 = tpu.concatenate %slice3A_383, %slice3A_384 in 1 : vector<128x1xf32>, vector<128x63xf32> -> vector<128x64xf32>
    %slice3A_386 = vector.extract_strided_slice %select_n3A_376 {offsets = [0, 1], sizes = [128, 63], strides = [1, 1]} : vector<128x64xf32> to vector<128x63xf32>
    %slice3A_387 = vector.extract_strided_slice %select_n3A_376 {offsets = [0, 0], sizes = [128, 1], strides = [1, 1]} : vector<128x64xf32> to vector<128x1xf32>
    %concatenate3A_388 = tpu.concatenate %slice3A_386, %slice3A_387 in 1 : vector<128x63xf32>, vector<128x1xf32> -> vector<128x64xf32>
    %broadcast_in_dim3A_389 = vector.shape_cast %gt3A_382 : vector<1x64xi1> to vector<1x64xi1>
    %broadcast_in_dim3A_390 = vector.broadcast %broadcast_in_dim3A_389 : vector<1x64xi1> to vector<128x64xi1>
    %select_n3A_391 = arith.select %broadcast_in_dim3A_390, %concatenate3A_385, %concatenate3A_388 : vector<128x64xi1>, vector<128x64xf32>
    %add3A_392 = arith.addf %select_n3A_376, %select_n3A_391 : vector<128x64xf32>
    %and3A_393 = arith.constant 2 : i32
    %and3A_394 = vector.broadcast %and3A_393 : i32 to vector<1x64xi32>
    %and3A_395 = arith.andi %select_n3A_156, %and3A_394 : vector<1x64xi32>
    %gt3A_396 = arith.constant 0 : i32
    %gt3A_397 = vector.broadcast %gt3A_396 : i32 to vector<1x64xi32>
    %gt3A_398 = arith.cmpi sgt, %and3A_395, %gt3A_397 : vector<1x64xi32>
    %slice3A_399 = vector.extract_strided_slice %add3A_392 {offsets = [0, 62], sizes = [128, 2], strides = [1, 1]} : vector<128x64xf32> to vector<128x2xf32>
    %slice3A_400 = vector.extract_strided_slice %add3A_392 {offsets = [0, 0], sizes = [128, 62], strides = [1, 1]} : vector<128x64xf32> to vector<128x62xf32>
    %concatenate3A_401 = tpu.concatenate %slice3A_399, %slice3A_400 in 1 : vector<128x2xf32>, vector<128x62xf32> -> vector<128x64xf32>
    %slice3A_402 = vector.extract_strided_slice %add3A_392 {offsets = [0, 2], sizes = [128, 62], strides = [1, 1]} : vector<128x64xf32> to vector<128x62xf32>
    %slice3A_403 = vector.extract_strided_slice %add3A_392 {offsets = [0, 0], sizes = [128, 2], strides = [1, 1]} : vector<128x64xf32> to vector<128x2xf32>
    %concatenate3A_404 = tpu.concatenate %slice3A_402, %slice3A_403 in 1 : vector<128x62xf32>, vector<128x2xf32> -> vector<128x64xf32>
    %broadcast_in_dim3A_405 = vector.shape_cast %gt3A_398 : vector<1x64xi1> to vector<1x64xi1>
    %broadcast_in_dim3A_406 = vector.broadcast %broadcast_in_dim3A_405 : vector<1x64xi1> to vector<128x64xi1>
    %select_n3A_407 = arith.select %broadcast_in_dim3A_406, %concatenate3A_401, %concatenate3A_404 : vector<128x64xi1>, vector<128x64xf32>
    %add3A_408 = arith.addf %add3A_392, %select_n3A_407 : vector<128x64xf32>
    %and3A_409 = arith.constant 4 : i32
    %and3A_410 = vector.broadcast %and3A_409 : i32 to vector<1x64xi32>
    %and3A_411 = arith.andi %select_n3A_156, %and3A_410 : vector<1x64xi32>
    %gt3A_412 = arith.constant 0 : i32
    %gt3A_413 = vector.broadcast %gt3A_412 : i32 to vector<1x64xi32>
    %gt3A_414 = arith.cmpi sgt, %and3A_411, %gt3A_413 : vector<1x64xi32>
    %slice3A_415 = vector.extract_strided_slice %add3A_408 {offsets = [0, 60], sizes = [128, 4], strides = [1, 1]} : vector<128x64xf32> to vector<128x4xf32>
    %slice3A_416 = vector.extract_strided_slice %add3A_408 {offsets = [0, 0], sizes = [128, 60], strides = [1, 1]} : vector<128x64xf32> to vector<128x60xf32>
    %concatenate3A_417 = tpu.concatenate %slice3A_415, %slice3A_416 in 1 : vector<128x4xf32>, vector<128x60xf32> -> vector<128x64xf32>
    %slice3A_418 = vector.extract_strided_slice %add3A_408 {offsets = [0, 4], sizes = [128, 60], strides = [1, 1]} : vector<128x64xf32> to vector<128x60xf32>
    %slice3A_419 = vector.extract_strided_slice %add3A_408 {offsets = [0, 0], sizes = [128, 4], strides = [1, 1]} : vector<128x64xf32> to vector<128x4xf32>
    %concatenate3A_420 = tpu.concatenate %slice3A_418, %slice3A_419 in 1 : vector<128x60xf32>, vector<128x4xf32> -> vector<128x64xf32>
    %broadcast_in_dim3A_421 = vector.shape_cast %gt3A_414 : vector<1x64xi1> to vector<1x64xi1>
    %broadcast_in_dim3A_422 = vector.broadcast %broadcast_in_dim3A_421 : vector<1x64xi1> to vector<128x64xi1>
    %select_n3A_423 = arith.select %broadcast_in_dim3A_422, %concatenate3A_417, %concatenate3A_420 : vector<128x64xi1>, vector<128x64xf32>
    %add3A_424 = arith.addf %add3A_408, %select_n3A_423 : vector<128x64xf32>
    %div3A = arith.divf %select_n3A_376, %add3A_424 : vector<128x64xf32>
    %slice3A_425 = vector.extract_strided_slice %div3A {offsets = [0, 0], sizes = [128, 1], strides = [1, 1]} : vector<128x64xf32> to vector<128x1xf32>
    %convert_element_type3A_426 = arith.truncf %slice3A_425 : vector<128x1xf32> to vector<128x1xbf16>
    %slice3A_427 = vector.extract_strided_slice %div3A {offsets = [0, 8], sizes = [128, 1], strides = [1, 1]} : vector<128x64xf32> to vector<128x1xf32>
    %convert_element_type3A_428 = arith.truncf %slice3A_427 : vector<128x1xf32> to vector<128x1xbf16>
    %mul3A_429 = vector.broadcast %convert_element_type3A_426 : vector<128x1xbf16> to vector<128x1024xbf16>
    %mul3A_430 = arith.mulf %mul3A_429, %convert_element_type3A_13 : vector<128x1024xbf16>
    %mul3A_431 = vector.broadcast %convert_element_type3A_428 : vector<128x1xbf16> to vector<128x1024xbf16>
    %mul3A_432 = arith.mulf %mul3A_431, %convert_element_type3A_13 : vector<128x1024xbf16>
    %slice3A_433 = vector.extract_strided_slice %div3A {offsets = [0, 1], sizes = [128, 1], strides = [1, 1]} : vector<128x64xf32> to vector<128x1xf32>
    %convert_element_type3A_434 = arith.truncf %slice3A_433 : vector<128x1xf32> to vector<128x1xbf16>
    %slice3A_435 = vector.extract_strided_slice %div3A {offsets = [0, 9], sizes = [128, 1], strides = [1, 1]} : vector<128x64xf32> to vector<128x1xf32>
    %convert_element_type3A_436 = arith.truncf %slice3A_435 : vector<128x1xf32> to vector<128x1xbf16>
    %mul3A_437 = vector.broadcast %convert_element_type3A_434 : vector<128x1xbf16> to vector<128x1024xbf16>
    %mul3A_438 = arith.mulf %mul3A_437, %convert_element_type3A_29 : vector<128x1024xbf16>
    %mul3A_439 = vector.broadcast %convert_element_type3A_436 : vector<128x1xbf16> to vector<128x1024xbf16>
    %mul3A_440 = arith.mulf %mul3A_439, %convert_element_type3A_29 : vector<128x1024xbf16>
    %add3A_441 = arith.addf %mul3A_430, %mul3A_438 : vector<128x1024xbf16>
    %add3A_442 = arith.addf %mul3A_432, %mul3A_440 : vector<128x1024xbf16>
    %slice3A_443 = vector.extract_strided_slice %div3A {offsets = [0, 2], sizes = [128, 1], strides = [1, 1]} : vector<128x64xf32> to vector<128x1xf32>
    %convert_element_type3A_444 = arith.truncf %slice3A_443 : vector<128x1xf32> to vector<128x1xbf16>
    %slice3A_445 = vector.extract_strided_slice %div3A {offsets = [0, 10], sizes = [128, 1], strides = [1, 1]} : vector<128x64xf32> to vector<128x1xf32>
    %convert_element_type3A_446 = arith.truncf %slice3A_445 : vector<128x1xf32> to vector<128x1xbf16>
    %mul3A_447 = vector.broadcast %convert_element_type3A_444 : vector<128x1xbf16> to vector<128x1024xbf16>
    %mul3A_448 = arith.mulf %mul3A_447, %convert_element_type3A_45 : vector<128x1024xbf16>
    %mul3A_449 = vector.broadcast %convert_element_type3A_446 : vector<128x1xbf16> to vector<128x1024xbf16>
    %mul3A_450 = arith.mulf %mul3A_449, %convert_element_type3A_45 : vector<128x1024xbf16>
    %add3A_451 = arith.addf %add3A_441, %mul3A_448 : vector<128x1024xbf16>
    %add3A_452 = arith.addf %add3A_442, %mul3A_450 : vector<128x1024xbf16>
    %slice3A_453 = vector.extract_strided_slice %div3A {offsets = [0, 3], sizes = [128, 1], strides = [1, 1]} : vector<128x64xf32> to vector<128x1xf32>
    %convert_element_type3A_454 = arith.truncf %slice3A_453 : vector<128x1xf32> to vector<128x1xbf16>
    %slice3A_455 = vector.extract_strided_slice %div3A {offsets = [0, 11], sizes = [128, 1], strides = [1, 1]} : vector<128x64xf32> to vector<128x1xf32>
    %convert_element_type3A_456 = arith.truncf %slice3A_455 : vector<128x1xf32> to vector<128x1xbf16>
    %mul3A_457 = vector.broadcast %convert_element_type3A_454 : vector<128x1xbf16> to vector<128x1024xbf16>
    %mul3A_458 = arith.mulf %mul3A_457, %convert_element_type3A_61 : vector<128x1024xbf16>
    %mul3A_459 = vector.broadcast %convert_element_type3A_456 : vector<128x1xbf16> to vector<128x1024xbf16>
    %mul3A_460 = arith.mulf %mul3A_459, %convert_element_type3A_61 : vector<128x1024xbf16>
    %add3A_461 = arith.addf %add3A_451, %mul3A_458 : vector<128x1024xbf16>
    %add3A_462 = arith.addf %add3A_452, %mul3A_460 : vector<128x1024xbf16>
    %slice3A_463 = vector.extract_strided_slice %div3A {offsets = [0, 4], sizes = [128, 1], strides = [1, 1]} : vector<128x64xf32> to vector<128x1xf32>
    %convert_element_type3A_464 = arith.truncf %slice3A_463 : vector<128x1xf32> to vector<128x1xbf16>
    %slice3A_465 = vector.extract_strided_slice %div3A {offsets = [0, 12], sizes = [128, 1], strides = [1, 1]} : vector<128x64xf32> to vector<128x1xf32>
    %convert_element_type3A_466 = arith.truncf %slice3A_465 : vector<128x1xf32> to vector<128x1xbf16>
    %mul3A_467 = vector.broadcast %convert_element_type3A_464 : vector<128x1xbf16> to vector<128x1024xbf16>
    %mul3A_468 = arith.mulf %mul3A_467, %convert_element_type3A_77 : vector<128x1024xbf16>
    %mul3A_469 = vector.broadcast %convert_element_type3A_466 : vector<128x1xbf16> to vector<128x1024xbf16>
    %mul3A_470 = arith.mulf %mul3A_469, %convert_element_type3A_77 : vector<128x1024xbf16>
    %add3A_471 = arith.addf %add3A_461, %mul3A_468 : vector<128x1024xbf16>
    %add3A_472 = arith.addf %add3A_462, %mul3A_470 : vector<128x1024xbf16>
    %slice3A_473 = vector.extract_strided_slice %div3A {offsets = [0, 5], sizes = [128, 1], strides = [1, 1]} : vector<128x64xf32> to vector<128x1xf32>
    %convert_element_type3A_474 = arith.truncf %slice3A_473 : vector<128x1xf32> to vector<128x1xbf16>
    %slice3A_475 = vector.extract_strided_slice %div3A {offsets = [0, 13], sizes = [128, 1], strides = [1, 1]} : vector<128x64xf32> to vector<128x1xf32>
    %convert_element_type3A_476 = arith.truncf %slice3A_475 : vector<128x1xf32> to vector<128x1xbf16>
    %mul3A_477 = vector.broadcast %convert_element_type3A_474 : vector<128x1xbf16> to vector<128x1024xbf16>
    %mul3A_478 = arith.mulf %mul3A_477, %convert_element_type3A_93 : vector<128x1024xbf16>
    %mul3A_479 = vector.broadcast %convert_element_type3A_476 : vector<128x1xbf16> to vector<128x1024xbf16>
    %mul3A_480 = arith.mulf %mul3A_479, %convert_element_type3A_93 : vector<128x1024xbf16>
    %add3A_481 = arith.addf %add3A_471, %mul3A_478 : vector<128x1024xbf16>
    %add3A_482 = arith.addf %add3A_472, %mul3A_480 : vector<128x1024xbf16>
    %slice3A_483 = vector.extract_strided_slice %div3A {offsets = [0, 6], sizes = [128, 1], strides = [1, 1]} : vector<128x64xf32> to vector<128x1xf32>
    %convert_element_type3A_484 = arith.truncf %slice3A_483 : vector<128x1xf32> to vector<128x1xbf16>
    %slice3A_485 = vector.extract_strided_slice %div3A {offsets = [0, 14], sizes = [128, 1], strides = [1, 1]} : vector<128x64xf32> to vector<128x1xf32>
    %convert_element_type3A_486 = arith.truncf %slice3A_485 : vector<128x1xf32> to vector<128x1xbf16>
    %mul3A_487 = vector.broadcast %convert_element_type3A_484 : vector<128x1xbf16> to vector<128x1024xbf16>
    %mul3A_488 = arith.mulf %mul3A_487, %convert_element_type3A_109 : vector<128x1024xbf16>
    %mul3A_489 = vector.broadcast %convert_element_type3A_486 : vector<128x1xbf16> to vector<128x1024xbf16>
    %mul3A_490 = arith.mulf %mul3A_489, %convert_element_type3A_109 : vector<128x1024xbf16>
    %add3A_491 = arith.addf %add3A_481, %mul3A_488 : vector<128x1024xbf16>
    %add3A_492 = arith.addf %add3A_482, %mul3A_490 : vector<128x1024xbf16>
    %slice3A_493 = vector.extract_strided_slice %div3A {offsets = [0, 7], sizes = [128, 1], strides = [1, 1]} : vector<128x64xf32> to vector<128x1xf32>
    %convert_element_type3A_494 = arith.truncf %slice3A_493 : vector<128x1xf32> to vector<128x1xbf16>
    %slice3A_495 = vector.extract_strided_slice %div3A {offsets = [0, 15], sizes = [128, 1], strides = [1, 1]} : vector<128x64xf32> to vector<128x1xf32>
    %convert_element_type3A_496 = arith.truncf %slice3A_495 : vector<128x1xf32> to vector<128x1xbf16>
    %mul3A_497 = vector.broadcast %convert_element_type3A_494 : vector<128x1xbf16> to vector<128x1024xbf16>
    %mul3A_498 = arith.mulf %mul3A_497, %convert_element_type3A_125 : vector<128x1024xbf16>
    %mul3A_499 = vector.broadcast %convert_element_type3A_496 : vector<128x1xbf16> to vector<128x1024xbf16>
    %mul3A_500 = arith.mulf %mul3A_499, %convert_element_type3A_125 : vector<128x1024xbf16>
    %add3A_501 = arith.addf %add3A_491, %mul3A_498 : vector<128x1024xbf16>
    %add3A_502 = arith.addf %add3A_492, %mul3A_500 : vector<128x1024xbf16>
    %convert_element_type3A_503 = arith.extf %add3A_501 : vector<128x1024xbf16> to vector<128x1024xf32>
    %swap3A_504 = arith.constant 0 : index
    %swap3A_505 = arith.constant 0 : index
    %swap3A_506 = vector.load %arg13[%swap3A_504, %swap3A_505] : memref<128x8192xf32, #tpu.memory_space<vmem>>, vector<128x1024xf32>
    tpu.vector_store %arg13[%swap3A_504, %swap3A_505], %convert_element_type3A_503 {strides = array<i32>} : memref<128x8192xf32, #tpu.memory_space<vmem>>, vector<128x1024xf32>,
    %convert_element_type3A_507 = arith.extf %add3A_502 : vector<128x1024xbf16> to vector<128x1024xf32>
    %swap3A_508 = arith.constant 0 : index
    %swap3A_509 = arith.constant 1024 : index
    %swap3A_510 = vector.load %arg13[%swap3A_508, %swap3A_509] : memref<128x8192xf32, #tpu.memory_space<vmem>>, vector<128x1024xf32>
    tpu.vector_store %arg13[%swap3A_508, %swap3A_509], %convert_element_type3A_507 {strides = array<i32>} : memref<128x8192xf32, #tpu.memory_space<vmem>>, vector<128x1024xf32>,
    %slice3A_511 = vector.extract_strided_slice %div3A {offsets = [0, 16], sizes = [128, 1], strides = [1, 1]} : vector<128x64xf32> to vector<128x1xf32>
    %convert_element_type3A_512 = arith.truncf %slice3A_511 : vector<128x1xf32> to vector<128x1xbf16>
    %slice3A_513 = vector.extract_strided_slice %div3A {offsets = [0, 24], sizes = [128, 1], strides = [1, 1]} : vector<128x64xf32> to vector<128x1xf32>
    %convert_element_type3A_514 = arith.truncf %slice3A_513 : vector<128x1xf32> to vector<128x1xbf16>
    %mul3A_515 = vector.broadcast %convert_element_type3A_512 : vector<128x1xbf16> to vector<128x1024xbf16>
    %mul3A_516 = arith.mulf %mul3A_515, %convert_element_type3A_13 : vector<128x1024xbf16>
    %mul3A_517 = vector.broadcast %convert_element_type3A_514 : vector<128x1xbf16> to vector<128x1024xbf16>
    %mul3A_518 = arith.mulf %mul3A_517, %convert_element_type3A_13 : vector<128x1024xbf16>
    %slice3A_519 = vector.extract_strided_slice %div3A {offsets = [0, 17], sizes = [128, 1], strides = [1, 1]} : vector<128x64xf32> to vector<128x1xf32>
    %convert_element_type3A_520 = arith.truncf %slice3A_519 : vector<128x1xf32> to vector<128x1xbf16>
    %slice3A_521 = vector.extract_strided_slice %div3A {offsets = [0, 25], sizes = [128, 1], strides = [1, 1]} : vector<128x64xf32> to vector<128x1xf32>
    %convert_element_type3A_522 = arith.truncf %slice3A_521 : vector<128x1xf32> to vector<128x1xbf16>
    %mul3A_523 = vector.broadcast %convert_element_type3A_520 : vector<128x1xbf16> to vector<128x1024xbf16>
    %mul3A_524 = arith.mulf %mul3A_523, %convert_element_type3A_29 : vector<128x1024xbf16>
    %mul3A_525 = vector.broadcast %convert_element_type3A_522 : vector<128x1xbf16> to vector<128x1024xbf16>
    %mul3A_526 = arith.mulf %mul3A_525, %convert_element_type3A_29 : vector<128x1024xbf16>
    %add3A_527 = arith.addf %mul3A_516, %mul3A_524 : vector<128x1024xbf16>
    %add3A_528 = arith.addf %mul3A_518, %mul3A_526 : vector<128x1024xbf16>
    %slice3A_529 = vector.extract_strided_slice %div3A {offsets = [0, 18], sizes = [128, 1], strides = [1, 1]} : vector<128x64xf32> to vector<128x1xf32>
    %convert_element_type3A_530 = arith.truncf %slice3A_529 : vector<128x1xf32> to vector<128x1xbf16>
    %slice3A_531 = vector.extract_strided_slice %div3A {offsets = [0, 26], sizes = [128, 1], strides = [1, 1]} : vector<128x64xf32> to vector<128x1xf32>
    %convert_element_type3A_532 = arith.truncf %slice3A_531 : vector<128x1xf32> to vector<128x1xbf16>
    %mul3A_533 = vector.broadcast %convert_element_type3A_530 : vector<128x1xbf16> to vector<128x1024xbf16>
    %mul3A_534 = arith.mulf %mul3A_533, %convert_element_type3A_45 : vector<128x1024xbf16>
    %mul3A_535 = vector.broadcast %convert_element_type3A_532 : vector<128x1xbf16> to vector<128x1024xbf16>
    %mul3A_536 = arith.mulf %mul3A_535, %convert_element_type3A_45 : vector<128x1024xbf16>
    %add3A_537 = arith.addf %add3A_527, %mul3A_534 : vector<128x1024xbf16>
    %add3A_538 = arith.addf %add3A_528, %mul3A_536 : vector<128x1024xbf16>
    %slice3A_539 = vector.extract_strided_slice %div3A {offsets = [0, 19], sizes = [128, 1], strides = [1, 1]} : vector<128x64xf32> to vector<128x1xf32>
    %convert_element_type3A_540 = arith.truncf %slice3A_539 : vector<128x1xf32> to vector<128x1xbf16>
    %slice3A_541 = vector.extract_strided_slice %div3A {offsets = [0, 27], sizes = [128, 1], strides = [1, 1]} : vector<128x64xf32> to vector<128x1xf32>
    %convert_element_type3A_542 = arith.truncf %slice3A_541 : vector<128x1xf32> to vector<128x1xbf16>
    %mul3A_543 = vector.broadcast %convert_element_type3A_540 : vector<128x1xbf16> to vector<128x1024xbf16>
    %mul3A_544 = arith.mulf %mul3A_543, %convert_element_type3A_61 : vector<128x1024xbf16>
    %mul3A_545 = vector.broadcast %convert_element_type3A_542 : vector<128x1xbf16> to vector<128x1024xbf16>
    %mul3A_546 = arith.mulf %mul3A_545, %convert_element_type3A_61 : vector<128x1024xbf16>
    %add3A_547 = arith.addf %add3A_537, %mul3A_544 : vector<128x1024xbf16>
    %add3A_548 = arith.addf %add3A_538, %mul3A_546 : vector<128x1024xbf16>
    %slice3A_549 = vector.extract_strided_slice %div3A {offsets = [0, 20], sizes = [128, 1], strides = [1, 1]} : vector<128x64xf32> to vector<128x1xf32>
    %convert_element_type3A_550 = arith.truncf %slice3A_549 : vector<128x1xf32> to vector<128x1xbf16>
    %slice3A_551 = vector.extract_strided_slice %div3A {offsets = [0, 28], sizes = [128, 1], strides = [1, 1]} : vector<128x64xf32> to vector<128x1xf32>
    %convert_element_type3A_552 = arith.truncf %slice3A_551 : vector<128x1xf32> to vector<128x1xbf16>
    %mul3A_553 = vector.broadcast %convert_element_type3A_550 : vector<128x1xbf16> to vector<128x1024xbf16>
    %mul3A_554 = arith.mulf %mul3A_553, %convert_element_type3A_77 : vector<128x1024xbf16>
    %mul3A_555 = vector.broadcast %convert_element_type3A_552 : vector<128x1xbf16> to vector<128x1024xbf16>
    %mul3A_556 = arith.mulf %mul3A_555, %convert_element_type3A_77 : vector<128x1024xbf16>
    %add3A_557 = arith.addf %add3A_547, %mul3A_554 : vector<128x1024xbf16>
    %add3A_558 = arith.addf %add3A_548, %mul3A_556 : vector<128x1024xbf16>
    %slice3A_559 = vector.extract_strided_slice %div3A {offsets = [0, 21], sizes = [128, 1], strides = [1, 1]} : vector<128x64xf32> to vector<128x1xf32>
    %convert_element_type3A_560 = arith.truncf %slice3A_559 : vector<128x1xf32> to vector<128x1xbf16>
    %slice3A_561 = vector.extract_strided_slice %div3A {offsets = [0, 29], sizes = [128, 1], strides = [1, 1]} : vector<128x64xf32> to vector<128x1xf32>
    %convert_element_type3A_562 = arith.truncf %slice3A_561 : vector<128x1xf32> to vector<128x1xbf16>
    %mul3A_563 = vector.broadcast %convert_element_type3A_560 : vector<128x1xbf16> to vector<128x1024xbf16>
    %mul3A_564 = arith.mulf %mul3A_563, %convert_element_type3A_93 : vector<128x1024xbf16>
    %mul3A_565 = vector.broadcast %convert_element_type3A_562 : vector<128x1xbf16> to vector<128x1024xbf16>
    %mul3A_566 = arith.mulf %mul3A_565, %convert_element_type3A_93 : vector<128x1024xbf16>
    %add3A_567 = arith.addf %add3A_557, %mul3A_564 : vector<128x1024xbf16>
    %add3A_568 = arith.addf %add3A_558, %mul3A_566 : vector<128x1024xbf16>
    %slice3A_569 = vector.extract_strided_slice %div3A {offsets = [0, 22], sizes = [128, 1], strides = [1, 1]} : vector<128x64xf32> to vector<128x1xf32>
    %convert_element_type3A_570 = arith.truncf %slice3A_569 : vector<128x1xf32> to vector<128x1xbf16>
    %slice3A_571 = vector.extract_strided_slice %div3A {offsets = [0, 30], sizes = [128, 1], strides = [1, 1]} : vector<128x64xf32> to vector<128x1xf32>
    %convert_element_type3A_572 = arith.truncf %slice3A_571 : vector<128x1xf32> to vector<128x1xbf16>
    %mul3A_573 = vector.broadcast %convert_element_type3A_570 : vector<128x1xbf16> to vector<128x1024xbf16>
    %mul3A_574 = arith.mulf %mul3A_573, %convert_element_type3A_109 : vector<128x1024xbf16>
    %mul3A_575 = vector.broadcast %convert_element_type3A_572 : vector<128x1xbf16> to vector<128x1024xbf16>
    %mul3A_576 = arith.mulf %mul3A_575, %convert_element_type3A_109 : vector<128x1024xbf16>
    %add3A_577 = arith.addf %add3A_567, %mul3A_574 : vector<128x1024xbf16>
    %add3A_578 = arith.addf %add3A_568, %mul3A_576 : vector<128x1024xbf16>
    %slice3A_579 = vector.extract_strided_slice %div3A {offsets = [0, 23], sizes = [128, 1], strides = [1, 1]} : vector<128x64xf32> to vector<128x1xf32>
    %convert_element_type3A_580 = arith.truncf %slice3A_579 : vector<128x1xf32> to vector<128x1xbf16>
    %slice3A_581 = vector.extract_strided_slice %div3A {offsets = [0, 31], sizes = [128, 1], strides = [1, 1]} : vector<128x64xf32> to vector<128x1xf32>
    %convert_element_type3A_582 = arith.truncf %slice3A_581 : vector<128x1xf32> to vector<128x1xbf16>
    %mul3A_583 = vector.broadcast %convert_element_type3A_580 : vector<128x1xbf16> to vector<128x1024xbf16>
    %mul3A_584 = arith.mulf %mul3A_583, %convert_element_type3A_125 : vector<128x1024xbf16>
    %mul3A_585 = vector.broadcast %convert_element_type3A_582 : vector<128x1xbf16> to vector<128x1024xbf16>
    %mul3A_586 = arith.mulf %mul3A_585, %convert_element_type3A_125 : vector<128x1024xbf16>
    %add3A_587 = arith.addf %add3A_577, %mul3A_584 : vector<128x1024xbf16>
    %add3A_588 = arith.addf %add3A_578, %mul3A_586 : vector<128x1024xbf16>
    %convert_element_type3A_589 = arith.extf %add3A_587 : vector<128x1024xbf16> to vector<128x1024xf32>
    %swap3A_590 = arith.constant 0 : index
    %swap3A_591 = arith.constant 2048 : index
    %swap3A_592 = vector.load %arg13[%swap3A_590, %swap3A_591] : memref<128x8192xf32, #tpu.memory_space<vmem>>, vector<128x1024xf32>
    tpu.vector_store %arg13[%swap3A_590, %swap3A_591], %convert_element_type3A_589 {strides = array<i32>} : memref<128x8192xf32, #tpu.memory_space<vmem>>, vector<128x1024xf32>,
    %convert_element_type3A_593 = arith.extf %add3A_588 : vector<128x1024xbf16> to vector<128x1024xf32>
    %swap3A_594 = arith.constant 0 : index
    %swap3A_595 = arith.constant 3072 : index
    %swap3A_596 = vector.load %arg13[%swap3A_594, %swap3A_595] : memref<128x8192xf32, #tpu.memory_space<vmem>>, vector<128x1024xf32>
    tpu.vector_store %arg13[%swap3A_594, %swap3A_595], %convert_element_type3A_593 {strides = array<i32>} : memref<128x8192xf32, #tpu.memory_space<vmem>>, vector<128x1024xf32>,
    %slice3A_597 = vector.extract_strided_slice %div3A {offsets = [0, 32], sizes = [128, 1], strides = [1, 1]} : vector<128x64xf32> to vector<128x1xf32>
    %convert_element_type3A_598 = arith.truncf %slice3A_597 : vector<128x1xf32> to vector<128x1xbf16>
    %slice3A_599 = vector.extract_strided_slice %div3A {offsets = [0, 40], sizes = [128, 1], strides = [1, 1]} : vector<128x64xf32> to vector<128x1xf32>
    %convert_element_type3A_600 = arith.truncf %slice3A_599 : vector<128x1xf32> to vector<128x1xbf16>
    %mul3A_601 = vector.broadcast %convert_element_type3A_598 : vector<128x1xbf16> to vector<128x1024xbf16>
    %mul3A_602 = arith.mulf %mul3A_601, %convert_element_type3A_13 : vector<128x1024xbf16>
    %mul3A_603 = vector.broadcast %convert_element_type3A_600 : vector<128x1xbf16> to vector<128x1024xbf16>
    %mul3A_604 = arith.mulf %mul3A_603, %convert_element_type3A_13 : vector<128x1024xbf16>
    %slice3A_605 = vector.extract_strided_slice %div3A {offsets = [0, 33], sizes = [128, 1], strides = [1, 1]} : vector<128x64xf32> to vector<128x1xf32>
    %convert_element_type3A_606 = arith.truncf %slice3A_605 : vector<128x1xf32> to vector<128x1xbf16>
    %slice3A_607 = vector.extract_strided_slice %div3A {offsets = [0, 41], sizes = [128, 1], strides = [1, 1]} : vector<128x64xf32> to vector<128x1xf32>
    %convert_element_type3A_608 = arith.truncf %slice3A_607 : vector<128x1xf32> to vector<128x1xbf16>
    %mul3A_609 = vector.broadcast %convert_element_type3A_606 : vector<128x1xbf16> to vector<128x1024xbf16>
    %mul3A_610 = arith.mulf %mul3A_609, %convert_element_type3A_29 : vector<128x1024xbf16>
    %mul3A_611 = vector.broadcast %convert_element_type3A_608 : vector<128x1xbf16> to vector<128x1024xbf16>
    %mul3A_612 = arith.mulf %mul3A_611, %convert_element_type3A_29 : vector<128x1024xbf16>
    %add3A_613 = arith.addf %mul3A_602, %mul3A_610 : vector<128x1024xbf16>
    %add3A_614 = arith.addf %mul3A_604, %mul3A_612 : vector<128x1024xbf16>
    %slice3A_615 = vector.extract_strided_slice %div3A {offsets = [0, 34], sizes = [128, 1], strides = [1, 1]} : vector<128x64xf32> to vector<128x1xf32>
    %convert_element_type3A_616 = arith.truncf %slice3A_615 : vector<128x1xf32> to vector<128x1xbf16>
    %slice3A_617 = vector.extract_strided_slice %div3A {offsets = [0, 42], sizes = [128, 1], strides = [1, 1]} : vector<128x64xf32> to vector<128x1xf32>
    %convert_element_type3A_618 = arith.truncf %slice3A_617 : vector<128x1xf32> to vector<128x1xbf16>
    %mul3A_619 = vector.broadcast %convert_element_type3A_616 : vector<128x1xbf16> to vector<128x1024xbf16>
    %mul3A_620 = arith.mulf %mul3A_619, %convert_element_type3A_45 : vector<128x1024xbf16>
    %mul3A_621 = vector.broadcast %convert_element_type3A_618 : vector<128x1xbf16> to vector<128x1024xbf16>
    %mul3A_622 = arith.mulf %mul3A_621, %convert_element_type3A_45 : vector<128x1024xbf16>
    %add3A_623 = arith.addf %add3A_613, %mul3A_620 : vector<128x1024xbf16>
    %add3A_624 = arith.addf %add3A_614, %mul3A_622 : vector<128x1024xbf16>
    %slice3A_625 = vector.extract_strided_slice %div3A {offsets = [0, 35], sizes = [128, 1], strides = [1, 1]} : vector<128x64xf32> to vector<128x1xf32>
    %convert_element_type3A_626 = arith.truncf %slice3A_625 : vector<128x1xf32> to vector<128x1xbf16>
    %slice3A_627 = vector.extract_strided_slice %div3A {offsets = [0, 43], sizes = [128, 1], strides = [1, 1]} : vector<128x64xf32> to vector<128x1xf32>
    %convert_element_type3A_628 = arith.truncf %slice3A_627 : vector<128x1xf32> to vector<128x1xbf16>
    %mul3A_629 = vector.broadcast %convert_element_type3A_626 : vector<128x1xbf16> to vector<128x1024xbf16>
    %mul3A_630 = arith.mulf %mul3A_629, %convert_element_type3A_61 : vector<128x1024xbf16>
    %mul3A_631 = vector.broadcast %convert_element_type3A_628 : vector<128x1xbf16> to vector<128x1024xbf16>
    %mul3A_632 = arith.mulf %mul3A_631, %convert_element_type3A_61 : vector<128x1024xbf16>
    %add3A_633 = arith.addf %add3A_623, %mul3A_630 : vector<128x1024xbf16>
    %add3A_634 = arith.addf %add3A_624, %mul3A_632 : vector<128x1024xbf16>
    %slice3A_635 = vector.extract_strided_slice %div3A {offsets = [0, 36], sizes = [128, 1], strides = [1, 1]} : vector<128x64xf32> to vector<128x1xf32>
    %convert_element_type3A_636 = arith.truncf %slice3A_635 : vector<128x1xf32> to vector<128x1xbf16>
    %slice3A_637 = vector.extract_strided_slice %div3A {offsets = [0, 44], sizes = [128, 1], strides = [1, 1]} : vector<128x64xf32> to vector<128x1xf32>
    %convert_element_type3A_638 = arith.truncf %slice3A_637 : vector<128x1xf32> to vector<128x1xbf16>
    %mul3A_639 = vector.broadcast %convert_element_type3A_636 : vector<128x1xbf16> to vector<128x1024xbf16>
    %mul3A_640 = arith.mulf %mul3A_639, %convert_element_type3A_77 : vector<128x1024xbf16>
    %mul3A_641 = vector.broadcast %convert_element_type3A_638 : vector<128x1xbf16> to vector<128x1024xbf16>
    %mul3A_642 = arith.mulf %mul3A_641, %convert_element_type3A_77 : vector<128x1024xbf16>
    %add3A_643 = arith.addf %add3A_633, %mul3A_640 : vector<128x1024xbf16>
    %add3A_644 = arith.addf %add3A_634, %mul3A_642 : vector<128x1024xbf16>
    %slice3A_645 = vector.extract_strided_slice %div3A {offsets = [0, 37], sizes = [128, 1], strides = [1, 1]} : vector<128x64xf32> to vector<128x1xf32>
    %convert_element_type3A_646 = arith.truncf %slice3A_645 : vector<128x1xf32> to vector<128x1xbf16>
    %slice3A_647 = vector.extract_strided_slice %div3A {offsets = [0, 45], sizes = [128, 1], strides = [1, 1]} : vector<128x64xf32> to vector<128x1xf32>
    %convert_element_type3A_648 = arith.truncf %slice3A_647 : vector<128x1xf32> to vector<128x1xbf16>
    %mul3A_649 = vector.broadcast %convert_element_type3A_646 : vector<128x1xbf16> to vector<128x1024xbf16>
    %mul3A_650 = arith.mulf %mul3A_649, %convert_element_type3A_93 : vector<128x1024xbf16>
    %mul3A_651 = vector.broadcast %convert_element_type3A_648 : vector<128x1xbf16> to vector<128x1024xbf16>
    %mul3A_652 = arith.mulf %mul3A_651, %convert_element_type3A_93 : vector<128x1024xbf16>
    %add3A_653 = arith.addf %add3A_643, %mul3A_650 : vector<128x1024xbf16>
    %add3A_654 = arith.addf %add3A_644, %mul3A_652 : vector<128x1024xbf16>
    %slice3A_655 = vector.extract_strided_slice %div3A {offsets = [0, 38], sizes = [128, 1], strides = [1, 1]} : vector<128x64xf32> to vector<128x1xf32>
    %convert_element_type3A_656 = arith.truncf %slice3A_655 : vector<128x1xf32> to vector<128x1xbf16>
    %slice3A_657 = vector.extract_strided_slice %div3A {offsets = [0, 46], sizes = [128, 1], strides = [1, 1]} : vector<128x64xf32> to vector<128x1xf32>
    %convert_element_type3A_658 = arith.truncf %slice3A_657 : vector<128x1xf32> to vector<128x1xbf16>
    %mul3A_659 = vector.broadcast %convert_element_type3A_656 : vector<128x1xbf16> to vector<128x1024xbf16>
    %mul3A_660 = arith.mulf %mul3A_659, %convert_element_type3A_109 : vector<128x1024xbf16>
    %mul3A_661 = vector.broadcast %convert_element_type3A_658 : vector<128x1xbf16> to vector<128x1024xbf16>
    %mul3A_662 = arith.mulf %mul3A_661, %convert_element_type3A_109 : vector<128x1024xbf16>
    %add3A_663 = arith.addf %add3A_653, %mul3A_660 : vector<128x1024xbf16>
    %add3A_664 = arith.addf %add3A_654, %mul3A_662 : vector<128x1024xbf16>
    %slice3A_665 = vector.extract_strided_slice %div3A {offsets = [0, 39], sizes = [128, 1], strides = [1, 1]} : vector<128x64xf32> to vector<128x1xf32>
    %convert_element_type3A_666 = arith.truncf %slice3A_665 : vector<128x1xf32> to vector<128x1xbf16>
    %slice3A_667 = vector.extract_strided_slice %div3A {offsets = [0, 47], sizes = [128, 1], strides = [1, 1]} : vector<128x64xf32> to vector<128x1xf32>
    %convert_element_type3A_668 = arith.truncf %slice3A_667 : vector<128x1xf32> to vector<128x1xbf16>
    %mul3A_669 = vector.broadcast %convert_element_type3A_666 : vector<128x1xbf16> to vector<128x1024xbf16>
    %mul3A_670 = arith.mulf %mul3A_669, %convert_element_type3A_125 : vector<128x1024xbf16>
    %mul3A_671 = vector.broadcast %convert_element_type3A_668 : vector<128x1xbf16> to vector<128x1024xbf16>
    %mul3A_672 = arith.mulf %mul3A_671, %convert_element_type3A_125 : vector<128x1024xbf16>
    %add3A_673 = arith.addf %add3A_663, %mul3A_670 : vector<128x1024xbf16>
    %add3A_674 = arith.addf %add3A_664, %mul3A_672 : vector<128x1024xbf16>
    %convert_element_type3A_675 = arith.extf %add3A_673 : vector<128x1024xbf16> to vector<128x1024xf32>
    %swap3A_676 = arith.constant 0 : index
    %swap3A_677 = arith.constant 4096 : index
    %swap3A_678 = vector.load %arg13[%swap3A_676, %swap3A_677] : memref<128x8192xf32, #tpu.memory_space<vmem>>, vector<128x1024xf32>
    tpu.vector_store %arg13[%swap3A_676, %swap3A_677], %convert_element_type3A_675 {strides = array<i32>} : memref<128x8192xf32, #tpu.memory_space<vmem>>, vector<128x1024xf32>,
    %convert_element_type3A_679 = arith.extf %add3A_674 : vector<128x1024xbf16> to vector<128x1024xf32>
    %swap3A_680 = arith.constant 0 : index
    %swap3A_681 = arith.constant 5120 : index
    %swap3A_682 = vector.load %arg13[%swap3A_680, %swap3A_681] : memref<128x8192xf32, #tpu.memory_space<vmem>>, vector<128x1024xf32>
    tpu.vector_store %arg13[%swap3A_680, %swap3A_681], %convert_element_type3A_679 {strides = array<i32>} : memref<128x8192xf32, #tpu.memory_space<vmem>>, vector<128x1024xf32>,
    %slice3A_683 = vector.extract_strided_slice %div3A {offsets = [0, 48], sizes = [128, 1], strides = [1, 1]} : vector<128x64xf32> to vector<128x1xf32>
    %convert_element_type3A_684 = arith.truncf %slice3A_683 : vector<128x1xf32> to vector<128x1xbf16>
    %slice3A_685 = vector.extract_strided_slice %div3A {offsets = [0, 56], sizes = [128, 1], strides = [1, 1]} : vector<128x64xf32> to vector<128x1xf32>
    %convert_element_type3A_686 = arith.truncf %slice3A_685 : vector<128x1xf32> to vector<128x1xbf16>
    %mul3A_687 = vector.broadcast %convert_element_type3A_684 : vector<128x1xbf16> to vector<128x1024xbf16>
    %mul3A_688 = arith.mulf %mul3A_687, %convert_element_type3A_13 : vector<128x1024xbf16>
    %mul3A_689 = vector.broadcast %convert_element_type3A_686 : vector<128x1xbf16> to vector<128x1024xbf16>
    %mul3A_690 = arith.mulf %mul3A_689, %convert_element_type3A_13 : vector<128x1024xbf16>
    %slice3A_691 = vector.extract_strided_slice %div3A {offsets = [0, 49], sizes = [128, 1], strides = [1, 1]} : vector<128x64xf32> to vector<128x1xf32>
    %convert_element_type3A_692 = arith.truncf %slice3A_691 : vector<128x1xf32> to vector<128x1xbf16>
    %slice3A_693 = vector.extract_strided_slice %div3A {offsets = [0, 57], sizes = [128, 1], strides = [1, 1]} : vector<128x64xf32> to vector<128x1xf32>
    %convert_element_type3A_694 = arith.truncf %slice3A_693 : vector<128x1xf32> to vector<128x1xbf16>
    %mul3A_695 = vector.broadcast %convert_element_type3A_692 : vector<128x1xbf16> to vector<128x1024xbf16>
    %mul3A_696 = arith.mulf %mul3A_695, %convert_element_type3A_29 : vector<128x1024xbf16>
    %mul3A_697 = vector.broadcast %convert_element_type3A_694 : vector<128x1xbf16> to vector<128x1024xbf16>
    %mul3A_698 = arith.mulf %mul3A_697, %convert_element_type3A_29 : vector<128x1024xbf16>
    %add3A_699 = arith.addf %mul3A_688, %mul3A_696 : vector<128x1024xbf16>
    %add3A_700 = arith.addf %mul3A_690, %mul3A_698 : vector<128x1024xbf16>
    %slice3A_701 = vector.extract_strided_slice %div3A {offsets = [0, 50], sizes = [128, 1], strides = [1, 1]} : vector<128x64xf32> to vector<128x1xf32>
    %convert_element_type3A_702 = arith.truncf %slice3A_701 : vector<128x1xf32> to vector<128x1xbf16>
    %slice3A_703 = vector.extract_strided_slice %div3A {offsets = [0, 58], sizes = [128, 1], strides = [1, 1]} : vector<128x64xf32> to vector<128x1xf32>
    %convert_element_type3A_704 = arith.truncf %slice3A_703 : vector<128x1xf32> to vector<128x1xbf16>
    %mul3A_705 = vector.broadcast %convert_element_type3A_702 : vector<128x1xbf16> to vector<128x1024xbf16>
    %mul3A_706 = arith.mulf %mul3A_705, %convert_element_type3A_45 : vector<128x1024xbf16>
    %mul3A_707 = vector.broadcast %convert_element_type3A_704 : vector<128x1xbf16> to vector<128x1024xbf16>
    %mul3A_708 = arith.mulf %mul3A_707, %convert_element_type3A_45 : vector<128x1024xbf16>
    %add3A_709 = arith.addf %add3A_699, %mul3A_706 : vector<128x1024xbf16>
    %add3A_710 = arith.addf %add3A_700, %mul3A_708 : vector<128x1024xbf16>
    %slice3A_711 = vector.extract_strided_slice %div3A {offsets = [0, 51], sizes = [128, 1], strides = [1, 1]} : vector<128x64xf32> to vector<128x1xf32>
    %convert_element_type3A_712 = arith.truncf %slice3A_711 : vector<128x1xf32> to vector<128x1xbf16>
    %slice3A_713 = vector.extract_strided_slice %div3A {offsets = [0, 59], sizes = [128, 1], strides = [1, 1]} : vector<128x64xf32> to vector<128x1xf32>
    %convert_element_type3A_714 = arith.truncf %slice3A_713 : vector<128x1xf32> to vector<128x1xbf16>
    %mul3A_715 = vector.broadcast %convert_element_type3A_712 : vector<128x1xbf16> to vector<128x1024xbf16>
    %mul3A_716 = arith.mulf %mul3A_715, %convert_element_type3A_61 : vector<128x1024xbf16>
    %mul3A_717 = vector.broadcast %convert_element_type3A_714 : vector<128x1xbf16> to vector<128x1024xbf16>
    %mul3A_718 = arith.mulf %mul3A_717, %convert_element_type3A_61 : vector<128x1024xbf16>
    %add3A_719 = arith.addf %add3A_709, %mul3A_716 : vector<128x1024xbf16>
    %add3A_720 = arith.addf %add3A_710, %mul3A_718 : vector<128x1024xbf16>
    %slice3A_721 = vector.extract_strided_slice %div3A {offsets = [0, 52], sizes = [128, 1], strides = [1, 1]} : vector<128x64xf32> to vector<128x1xf32>
    %convert_element_type3A_722 = arith.truncf %slice3A_721 : vector<128x1xf32> to vector<128x1xbf16>
    %slice3A_723 = vector.extract_strided_slice %div3A {offsets = [0, 60], sizes = [128, 1], strides = [1, 1]} : vector<128x64xf32> to vector<128x1xf32>
    %convert_element_type3A_724 = arith.truncf %slice3A_723 : vector<128x1xf32> to vector<128x1xbf16>
    %mul3A_725 = vector.broadcast %convert_element_type3A_722 : vector<128x1xbf16> to vector<128x1024xbf16>
    %mul3A_726 = arith.mulf %mul3A_725, %convert_element_type3A_77 : vector<128x1024xbf16>
    %mul3A_727 = vector.broadcast %convert_element_type3A_724 : vector<128x1xbf16> to vector<128x1024xbf16>
    %mul3A_728 = arith.mulf %mul3A_727, %convert_element_type3A_77 : vector<128x1024xbf16>
    %add3A_729 = arith.addf %add3A_719, %mul3A_726 : vector<128x1024xbf16>
    %add3A_730 = arith.addf %add3A_720, %mul3A_728 : vector<128x1024xbf16>
    %slice3A_731 = vector.extract_strided_slice %div3A {offsets = [0, 53], sizes = [128, 1], strides = [1, 1]} : vector<128x64xf32> to vector<128x1xf32>
    %convert_element_type3A_732 = arith.truncf %slice3A_731 : vector<128x1xf32> to vector<128x1xbf16>
    %slice3A_733 = vector.extract_strided_slice %div3A {offsets = [0, 61], sizes = [128, 1], strides = [1, 1]} : vector<128x64xf32> to vector<128x1xf32>
    %convert_element_type3A_734 = arith.truncf %slice3A_733 : vector<128x1xf32> to vector<128x1xbf16>
    %mul3A_735 = vector.broadcast %convert_element_type3A_732 : vector<128x1xbf16> to vector<128x1024xbf16>
    %mul3A_736 = arith.mulf %mul3A_735, %convert_element_type3A_93 : vector<128x1024xbf16>
    %mul3A_737 = vector.broadcast %convert_element_type3A_734 : vector<128x1xbf16> to vector<128x1024xbf16>
    %mul3A_738 = arith.mulf %mul3A_737, %convert_element_type3A_93 : vector<128x1024xbf16>
    %add3A_739 = arith.addf %add3A_729, %mul3A_736 : vector<128x1024xbf16>
    %add3A_740 = arith.addf %add3A_730, %mul3A_738 : vector<128x1024xbf16>
    %slice3A_741 = vector.extract_strided_slice %div3A {offsets = [0, 54], sizes = [128, 1], strides = [1, 1]} : vector<128x64xf32> to vector<128x1xf32>
    %convert_element_type3A_742 = arith.truncf %slice3A_741 : vector<128x1xf32> to vector<128x1xbf16>
    %slice3A_743 = vector.extract_strided_slice %div3A {offsets = [0, 62], sizes = [128, 1], strides = [1, 1]} : vector<128x64xf32> to vector<128x1xf32>
    %convert_element_type3A_744 = arith.truncf %slice3A_743 : vector<128x1xf32> to vector<128x1xbf16>
    %mul3A_745 = vector.broadcast %convert_element_type3A_742 : vector<128x1xbf16> to vector<128x1024xbf16>
    %mul3A_746 = arith.mulf %mul3A_745, %convert_element_type3A_109 : vector<128x1024xbf16>
    %mul3A_747 = vector.broadcast %convert_element_type3A_744 : vector<128x1xbf16> to vector<128x1024xbf16>
    %mul3A_748 = arith.mulf %mul3A_747, %convert_element_type3A_109 : vector<128x1024xbf16>
    %add3A_749 = arith.addf %add3A_739, %mul3A_746 : vector<128x1024xbf16>
    %add3A_750 = arith.addf %add3A_740, %mul3A_748 : vector<128x1024xbf16>
    %slice3A_751 = vector.extract_strided_slice %div3A {offsets = [0, 55], sizes = [128, 1], strides = [1, 1]} : vector<128x64xf32> to vector<128x1xf32>
    %convert_element_type3A_752 = arith.truncf %slice3A_751 : vector<128x1xf32> to vector<128x1xbf16>
    %slice3A_753 = vector.extract_strided_slice %div3A {offsets = [0, 63], sizes = [128, 1], strides = [1, 1]} : vector<128x64xf32> to vector<128x1xf32>
    %convert_element_type3A_754 = arith.truncf %slice3A_753 : vector<128x1xf32> to vector<128x1xbf16>
    %mul3A_755 = vector.broadcast %convert_element_type3A_752 : vector<128x1xbf16> to vector<128x1024xbf16>
    %mul3A_756 = arith.mulf %mul3A_755, %convert_element_type3A_125 : vector<128x1024xbf16>
    %mul3A_757 = vector.broadcast %convert_element_type3A_754 : vector<128x1xbf16> to vector<128x1024xbf16>
    %mul3A_758 = arith.mulf %mul3A_757, %convert_element_type3A_125 : vector<128x1024xbf16>
    %add3A_759 = arith.addf %add3A_749, %mul3A_756 : vector<128x1024xbf16>
    %add3A_760 = arith.addf %add3A_750, %mul3A_758 : vector<128x1024xbf16>
    %convert_element_type3A_761 = arith.extf %add3A_759 : vector<128x1024xbf16> to vector<128x1024xf32>
    %swap3A_762 = arith.constant 0 : index
    %swap3A_763 = arith.constant 6144 : index
    %swap3A_764 = vector.load %arg13[%swap3A_762, %swap3A_763] : memref<128x8192xf32, #tpu.memory_space<vmem>>, vector<128x1024xf32>
    tpu.vector_store %arg13[%swap3A_762, %swap3A_763], %convert_element_type3A_761 {strides = array<i32>} : memref<128x8192xf32, #tpu.memory_space<vmem>>, vector<128x1024xf32>,
    %convert_element_type3A_765 = arith.extf %add3A_760 : vector<128x1024xbf16> to vector<128x1024xf32>
    %swap3A_766 = arith.constant 0 : index
    %swap3A_767 = arith.constant 7168 : index
    %swap3A_768 = vector.load %arg13[%swap3A_766, %swap3A_767] : memref<128x8192xf32, #tpu.memory_space<vmem>>, vector<128x1024xf32>
    tpu.vector_store %arg13[%swap3A_766, %swap3A_767], %convert_element_type3A_765 {strides = array<i32>} : memref<128x8192xf32, #tpu.memory_space<vmem>>, vector<128x1024xf32>,
    return
  }
  func.func @transform_0(%arg0: i32) -> (i32, i32) {
    %c0_i32 = arith.constant 0 : i32
    %c0_i32_0 = arith.constant 0 : i32
    return %arg0, %c0_i32 : i32, i32
  }
  func.func @transform_1(%arg0: i32) -> (i32, i32) {
    %c0_i32 = arith.constant 0 : i32
    %c0_i32_0 = arith.constant 0 : i32
    return %arg0, %c0_i32 : i32, i32
  }
  func.func @transform_2(%arg0: i32) -> (i32, i32) {
    %c0_i32 = arith.constant 0 : i32
    %c0_i32_0 = arith.constant 0 : i32
    %c0_i32_1 = arith.constant 0 : i32
    return %c0_i32, %c0_i32_0 : i32, i32
  }
  func.func @transform_3(%arg0: i32) -> (i32, i32) {
    %c0_i32 = arith.constant 0 : i32
    %c0_i32_0 = arith.constant 0 : i32
    %c0_i32_1 = arith.constant 0 : i32
    return %c0_i32, %c0_i32_0 : i32, i32
  }
  func.func @transform_4(%arg0: i32) -> (i32, i32) {
    %c0_i32 = arith.constant 0 : i32
    %c0_i32_0 = arith.constant 0 : i32
    %c0_i32_1 = arith.constant 0 : i32
    return %c0_i32, %c0_i32_0 : i32, i32
  }
  func.func @transform_5(%arg0: i32) -> (i32, i32) {
    %c0_i32 = arith.constant 0 : i32
    %c0_i32_0 = arith.constant 0 : i32
    %c0_i32_1 = arith.constant 0 : i32
    return %c0_i32, %c0_i32_0 : i32, i32
  }
  func.func @transform_6(%arg0: i32) -> (i32, i32) {
    %c0_i32 = arith.constant 0 : i32
    %c0_i32_0 = arith.constant 0 : i32
    %c0_i32_1 = arith.constant 0 : i32
    return %c0_i32, %c0_i32_0 : i32, i32
  }
  func.func @transform_7(%arg0: i32) -> (i32, i32) {
    %c0_i32 = arith.constant 0 : i32
    %c0_i32_0 = arith.constant 0 : i32
    %c0_i32_1 = arith.constant 0 : i32
    return %c0_i32, %c0_i32_0 : i32, i32
  }
  func.func @transform_8(%arg0: i32) -> (i32, i32) {
    %c0_i32 = arith.constant 0 : i32
    %c0_i32_0 = arith.constant 0 : i32
    %c0_i32_1 = arith.constant 0 : i32
    return %c0_i32, %c0_i32_0 : i32, i32
  }
  func.func @transform_9(%arg0: i32) -> (i32, i32) {
    %c0_i32 = arith.constant 0 : i32
    %c0_i32_0 = arith.constant 0 : i32
    %c0_i32_1 = arith.constant 0 : i32
    return %c0_i32, %c0_i32_0 : i32, i32
  }
  func.func @transform_10(%arg0: i32) -> (i32, i32) {
    %c0_i32 = arith.constant 0 : i32
    %c0_i32_0 = arith.constant 0 : i32
    %c0_i32_1 = arith.constant 0 : i32
    return %c0_i32, %c0_i32_0 : i32, i32
  }
  func.func @transform_11(%arg0: i32) -> (i32, i32) {
    %c0_i32 = arith.constant 0 : i32
    %c0_i32_0 = arith.constant 0 : i32
    %c0_i32_1 = arith.constant 0 : i32
    return %c0_i32, %c0_i32_0 : i32, i32
  }
  func.func @transform_12(%arg0: i32) -> (i32, i32) {
    %c0_i32 = arith.constant 0 : i32
    %c0_i32_0 = arith.constant 0 : i32
    return %arg0, %c0_i32 : i32, i32
  }
  func.func @transform_13(%arg0: i32) -> (i32, i32, i32) {
    %c0_i32 = arith.constant 0 : i32
    %c0_i32_0 = arith.constant 0 : i32
    %c0_i32_1 = arith.constant 0 : i32
    return %c0_i32, %arg0, %c0_i32_0 : i32, i32, i32
  }
}

</mosaic_0001>

<sc_bundles>
// kernel: sparse-core-data-format-call.cloned.1.call-start
scs
called_computation_lowered:
.L_overlay_start_0:
0x0: {  	s2 =	sld [smem:$0x3FD9]  }
0x1: {  	s3 =	sld [smem:$0x3FFE];
	_ =	sdelay $0x1  }
0x2: {  	s1 =	srdreg.scid  }
0x3: {  	s0 =	sand.u32 $0x1, s1  }
0x4: {  	s15 =	sshll.u32 s0, $0xA;
	s2 =	sadd.s32 s3, s2  }
0x5: {  	s2 =	sadd.s32 s2, s15  }
0x6: {  	[smem:$0x3FBC] =	sst s2  }
0x7: {  	_ = 	snop  }
0x8: {  	s2 =	sld [smem:$0x3FD0];
	_ =	sdelay $0x2  }
0x9: {  	s16 =	simm.s32 $0xA;
	s4 =	simm.s32 $0x10  }
0xa: {  	[smem:s4], [sflag:s16] =	dma.local [hbm:s2], $0x1  }
0xb: {  	_ =	swait.eq [sflag:s16], $0x1  }
0xc: {  	[sflag:s16] =	ssyncset.done $0x0  }
0xd: {  	[sflag:s16] =	ssyncadd.s32 $0xFFFFFFFF  }
0xe: {  	s17 =	sld [smem:$0x11];
	(tm) =	ssettm $0x1  }
0xf: {  	s18 =	sld [smem:$0x3FFB];
	_ =	sdelay $0x3  }
0x10: {  	_ =	strace s18  }
0x11: {  	s3 =	sld [smem:$0x3FFC];
	_ =	sdelay $0x3  }
0x12: {  	_ =	strace s3  }
0x13: {  	s3 =	sld [smem:$0x3FFD];
	_ =	sdelay $0x3  }
0x14: {  	_ =	strace s3  }
0x15: {  	_ =	strace $0x8FFFFFFF  }
0x16: {  	s19 =	sld [smem:$0x3FDB];
	_ =	sdelay $0x1  }
0x17: {  	s20 =	simm.s32 $_scs_section_size  }
0x18: {  	s5 =	simm.s32 $_size__tile_overlayer_lowered;
	s6 =	simm.s32 $_tile_overlayer_lowered  }
0x19: {  	s23 =	simm.s32 $0x1BFF;
	s22 =	sshll.u32 s6, $0x1;
	s3 =	sadd.s32 s20, s19  }
0x1a: {  	s7 =	simm.s32 $0x0;
	s21 =	sshll.u32 s5, $0x1;
	s5 =	sadd.s32 s22, s3  }
0x1b: {  	[timem:s7], [sflag:s23] =	dma.local [hbm:s5], s21  }
0x1c: {  	_ =	swait.ge [sflag:s23], s21  }
0x1d: {  	s4 =	ssub.s32 $0x0, s21;
	[sflag:s23] =	ssyncset.done $0x0  }
0x1e: {  	[sflag:s23] =	ssyncadd.s32 s4;
	_ =	sdelay $0x1  }
0x1f: {  	s24 =	simm.s32 $0x1B8B  }
0x20: {  	_ =	swait.ge [sflag:s24], $0x1  }
0x21: {  	[sflag:s24] =	ssyncset.done $0x0  }
0x22: {  	s26 =	simm.s32 $0x1B8E;
	s25 =	sld [smem:$0x3FFE];
	[sflag:s24] =	ssyncadd.s32 $0xFFFFFFFF  }
0x23: {  	s27 =	simm.s32 $execute0_lowered;
	[smem:$0x3FD2] =	sst s26  }
0x24: {  	s5 =	sshll.u32 s27, $0x1;
	_ =	strace $0x80000046;
	[dreg:$0x1] =	wrdreg $0xFFFFFFFF  }
0x25: {  	s28 =	simm.s32 $_size_execute0_lowered;
	s3 =	sadd.s32 s3, s5;
	[dreg:$0x0] =	wrdreg $0x0  }
0x26: {  	s5 =	sshll.u32 s28, $0x1;
	[dreg:$0x2] =	wrdreg s3  }
0x27: {  	[dreg:$0x3] =	wrdreg s5  }
0x28: {  	[dreg:$0x4] =	wrdreg $0xC0  }
0x29: {  	_ =	task [dreg:s7], $0x5FFFF  }
0x2a: {  	[dreg:$0x1] =	wrdreg $0xFFFFFFFF  }
0x2b: {  	[dreg:$0x0] =	wrdreg $0x60  }
0x2c: {  	[dreg:$0x2] =	wrdreg s25  }
0x2d: {  	[dreg:$0x3] =	wrdreg s17  }
0x2e: {  	[dreg:$0x4] =	wrdreg $0x9  }
0x2f: {  	_ =	task.clear_ibuf [dreg:s7], $0x5FFFF;
	_ =	strace $0x90000046  }
0x30: {  	s29 =	simm.s32 $0x9;
	_ =	strace $0x80000048  }
0x31: {  	_ =	swait.ge [sflag:s29], $0x1  }
0x32: {  	[sflag:s29] =	ssyncadd.s32 $0xFFFFFFFF  }
0x33: {  	_ =	strace $0x90000048  }
0x34: {  	_ =	sfence  }
0x35: {  	s30 =	sld [smem:$0x0];
	_ =	sdelay $0x2  }
0x36: {  	s31 =	sshll.u32 s1, $0xD;
	s1 =	sshrl.u32 s1, $0x2  }
0x37: {  	s3 =	sand.u32 $0x4000, s31;
	s1 =	sadd.s32 s1, s30  }
0x38: {  	s0 =	sor.u32 s3, s0;
	s1 =	sshll.u32 s1, $0x11  }
0x39: {  	s0 =	sor.u32 s1, s0  }
0x3a: {  	s0 =	sadd.s32 $0x8F2B, s0  }
0x3b: {  	[sflag:s0] =	ssyncadd.remote.s32 $0x1  }
0x3c: {  	_ =	sfence.sel $0xFFFF  }
0x3d: {  	[dreg:$0x0] =	wrdreg $0xFFFFFFFF;
	(pc) =	sbr.abs _section_cstart, $3  }
0x3e: {  	[dreg:$0x1] =	wrdreg $0xFFFFFFFF  }
0x3f: {  	_ =	task.clear_ibuf [dreg:s7], $0x2FFFF;
	_ =	strace $0x9FFFFFFF  }
0x40: {  	(tm) =	ssettm $0x7FFFFFFF  }
0x41: {  	_ =	shalt  }
tec
execute0_lowered:
.L_overlay_start_1:
0x0: {  	(tag) =	ssettag $0x1  }
0x1: {  	s0 =	stileid.u32;
	s4 =	rddreg [dreg:$0x0]  }
0x2: {  	s1 =	srdreg.scid;
	s3 =	rddreg [dreg:$0x1];
	s7 =	simm.s32 $0x1  }
0x3: {  	s31 =	simm.s32 $0x2;
	s2 =	sshll.u32 s0, $0x4;
	s1 =	sshll.u32 s1, $0x8  }
0x4: {  	s15 =	simm.s32 $0x0;
	s9 =	simm.s32 $0x2000;
	s1 =	sor.u32 s2, s1  }
0x5: {  	s10 =	simm.s32 $0x0;
	s16 =	simm.s32 $0x0;
	s2 =	sand.u32 $0x180, s1  }
0x6: {  	s17 =	simm.s32 $0x0;
	s11 =	simm.s32 $0x0;
	s5 =	ssub.s32 $0x1000, s2  }
0x7: {  	s14 =	simm.s32 $0x0;
	s4 =	sadd.s32 $0x421C00, s4;
	s6 =	sand.u32 $0x180, s5  }
.Ltmp0:
0x8: {  	s1 =	rddreg [dreg:$0x2];
	p0 =	sne.s32 s6, $0x0;
	(pc) =	sbr.rel .LBB1_1-.Ltmp0, $4  }
0x9: {  	_ =	strace $0x80000047;
	s8 =	sshrl.u32 s5, $0x9;
	s7 =	simm.s32 @!p0 $0x0  }
0xa: {  	s12 =	smov.u32 s2;
	s6 =	simm.s32 $0x1;
	s7 =	sadd.s32 s7, s8  }
0xb: {  	s5 =	sand.u32 $0x7, s0;
	[sflag:s6] =	ssyncpa.u1 $0x0;
	s7 =	sshll.u32 s7, $0x3  }
0xc: {  	s13 =	smov.u32 s5;
	[sflag:s31] =	ssyncpa.u1 $0x0;
	s8 =	sor.u32 $0x1, s7  }
.LBB1_4:
0xd: {  	_ =	sdelay $0x3  }
0xe: {  	[tilespmem:v0+s20+$0xFFFFFFA0 ss:$0x1] =	vst.idx.msk $0xffff, v6  }
0xf: {  	v56 =	vld.idx.msk [tilespmem:v1+s19+$0x30 ss:$0x1], $0xffff;
	[tilespmem:v0+s20+$0xFFFFFFB0 ss:$0x1] =	vst.idx.msk $0xffff, v4  }
0x10: {  	v57 =	vld.idx.msk [tilespmem:v1+s19+$0xFFFFFFC0 ss:$0x1], $0xffff;
	[tilespmem:v0+s20+$0xFFFFFFC0 ss:$0x1] =	vst.idx.msk $0xffff, v2  }
0x11: {  	v58 =	vld.idx.msk [tilespmem:v1+s19+$0xFFFFFFD0 ss:$0x1], $0xffff;
	[tilespmem:v0+s20+$0xFFFFFFD0 ss:$0x1] =	vst.idx.msk $0xffff, v3  }
0x12: {  	v59 =	vld.idx.msk [tilespmem:v1+s19+$0xFFFFFFE0 ss:$0x1], $0xffff;
	[tilespmem:v0+s20+$0xFFFFFFE0 ss:$0x1] =	vst.idx.msk $0xffff, v5  }
0x13: {  	v60 =	vld.idx.msk [tilespmem:v1+s19+$0xFFFFFFF0 ss:$0x1], $0xffff;
	[tilespmem:v0+s20+$0xFFFFFFF0 ss:$0x1] =	vst.idx.msk $0xffff, v7  }
0x14: {  	v61 =	vld.idx.msk [tilespmem:v1+s19+$0x0 ss:$0x1], $0xffff;
	[tilespmem:v0+s19+$0x0 ss:$0x1] =	vst.idx.msk $0xffff, v56  }
0x15: {  	v62 =	vld.idx.msk [tilespmem:v1+s19+$0x10 ss:$0x1], $0xffff;
	[tilespmem:v0+s19+$0xFFFFFF90 ss:$0x1] =	vst.idx.msk $0xffff, v57  }
0x16: {  	v63 =	vld.idx.msk [tilespmem:v1+s19+$0x20 ss:$0x1], $0xffff;
	[tilespmem:v0+s19+$0xFFFFFFA0 ss:$0x1] =	vst.idx.msk $0xffff, v58  }
0x17: {  	s17 =	sshll.u32 s17, $0x7;
	s29 =	sand.u32 $0x78, s15;
	[tilespmem:v0+s19+$0xFFFFFFB0 ss:$0x1] =	vst.idx.msk $0xffff, v59  }
0x18: {  	s16 =	sshll.u32 s16, $0xA;
	s30 =	sand.u32 $0x380, s15;
	s17 =	sand.u32 $0x380, s17;
	[tilespmem:v0+s19+$0xFFFFFFC0 ss:$0x1] =	vst.idx.msk $0xffff, v60  }
0x19: {  	s31 =	sand.u32 $0x7, s15;
	s16 =	sadd.s32 s3, s16;
	s17 =	sor.u32 s17, s29;
	[tilespmem:v0+s19+$0xFFFFFFD0 ss:$0x1] =	vst.idx.msk $0xffff, v61  }
0x1a: {  	s15 =	sshll.u32 s31, $0x12;
	s16 =	sadd.s32 s30, s16;
	s17 =	sshrl.u32 s17, $0x3;
	[tilespmem:v0+s19+$0xFFFFFFE0 ss:$0x1] =	vst.idx.msk $0xffff, v62  }
0x1b: {  	s15 =	sor.u32 $0x80, s15;
	s16 =	sadd.s32 s17, s16;
	[tilespmem:v0+s19+$0xFFFFFFF0 ss:$0x1] =	vst.idx.msk $0xffff, v63  }
0x1c: {  	[hbm4b:s16+s15] =	stream.strided.scatter [tilespmem:s18], [sflag:$0x2], $0x4000, s9, s15, $0x38;
	[tilespmem:$0x10000] =	vst v63  }
.LBB1_5:
0x1d: {  	s18 =	sadd.s32 $0x80, s11  }
0x1e: {  	s15 =	sadd.s32 $0x200, s12;
	s19 =	smov.u32 s12;
	p1 =	sgt.s32 s18, $0x3FF  }
0x1f: {  	s19 =	smov.u32 @p1 s15  }
0x20: {  	s21 =	smov.u32 s13;
	s15 =	sadd.s32 $0x8, s13;
	p2 =	sgt.s32 s19, $0xFFF  }
0x21: {  	s21 =	smov.u32 @p2 s15  }
0x22: {  	s18 =	simm.s32 @p1 $0x0;
	p1 =	sgt.s32 s21, $0x7  }
0x23: {  	p0 =	slt.u32 s14, $0x2;
	s21 =	smov.u32 @p1 s5;
	p1 =	sne.s32 s14, s8  }
.Ltmp1:
0x24: {  	s20 =	simm.s32 @!p0 $0x2;
	(pc) =	sbr.rel @!p1 .LBB1_6-.Ltmp1, $4  }
0x25: {  	s16 =	smov.u32 s12;
	s17 =	smov.u32 s13;
	_ =	swait.ge @!p0 [sflag:s20], $0x4000  }
0x26: {  	s10 =	sadd.s32 $0x4000, s10;
	[sflag:s20] =	ssyncset.done @!p0 $0x0;
	s19 =	smov.u32 @p2 s2  }
0x27: {  	s15 =	smov.u32 s11;
	[sflag:s20] =	ssyncadd.s32 @!p0 $0xFFFFC000;
	s11 =	smov.u32 s18  }
0x28: {  	s12 =	smov.u32 s19;
	s14 =	sadd.s32 $0x1, s14;
	s13 =	smov.u32 s21  }
.LBB1_1:
0x29: {  	p0 =	sge.u32 s14, s7  }
0x2a: {  	s31 =	sadd.s32 $0xFFFFFFFF, s14;
	s18 =	sshll.u32 @!p0 s12, $0x7  }
0x2b: {  	s19 =	sxor.u32 @!p0 $0xFFFFFFFF, s14;
	s20 =	sand.u32 @!p0 $0x78, s11;
	s21 =	sand.u32 @!p0 $0x380, s18  }
0x2c: {  	s19 =	sshll.u32 @!p0 s19, $0xE;
	s20 =	sor.u32 @!p0 s20, s21;
	s21 =	sshll.u32 @!p0 s13, $0x13  }
0x2d: {  	s18 =	sand.u32 @!p0 $0x7FC00, s18;
	s20 =	sshrl.u32 @!p0 s20, $0x3;
	s21 =	sadd.s32 @!p0 s4, s21  }
0x2e: {  	s18 =	sadd.s32 @!p0 s11, s18;
	s20 =	sadd.s32 @!p0 s20, s21;
	s21 =	sand.u32 @!p0 $0x7, s11  }
0x2f: {  	s19 =	sand.u32 @!p0 $0x4000, s19;
	s18 =	sand.u32 @!p0 $0x7FF80, s18;
	s21 =	sshll.u32 @!p0 s21, $0x12  }
0x30: {  	s18 =	sadd.s32 @!p0 s18, s20;
	s20 =	sor.u32 @!p0 $0x400, s21;
	s21 =	simm.s32 @!p0 $0x2000  }
0x31: {  	[tilespmem:s19], [sflag:$0x1] =	stream.strided.gather @!p0 [hbm4b:s18+s20], $0x4000, s21, s20, $0x38;
	[tilespmem:$0x10000] =	vst v63  }
0x32: {  	p0 =	sge.u32 s31, s7  }
.Ltmp2:
0x33: {  	_ = 	snop;
	(pc) =	sbr.rel @p0 .LBB1_5-.Ltmp2, $1  }
0x34: {  	_ =	sdelay $0x3  }
0x35: {  	s18 =	sand.u32 $0x4000, s10  }
0x36: {  	s19 =	sor.u32 $0x40, s18  }
0x37: {  	v1 =	vmov s19;
	_ =	sdelay $0x1  }
0x38: {  	_ =	swait.ge [sflag:s6], $0x4000  }
0x39: {  	[sflag:s6] =	ssyncset.done $0x0  }
0x3a: {  	s20 =	simm.s32 $0x0;
	[sflag:s6] =	ssyncadd.s32 $0xFFFFC000  }
0x3b: {  	s18 =	sor.u32 $0x8070, s18;
	v7 =	vld.idx.msk [tilespmem:v1+s20+$0x30 ss:$0x1], $0xffff  }
0x3c: {  	v0 =	vmov s18;
	v8 =	vld.idx.msk [tilespmem:v1+s20+$0xFFFFFFC0 ss:$0x1], $0xffff  }
0x3d: {  	v6 =	vld.idx.msk [tilespmem:v1+s20+$0xFFFFFFD0 ss:$0x1], $0xffff  }
0x3e: {  	v4 =	vld.idx.msk [tilespmem:v1+s20+$0xFFFFFFE0 ss:$0x1], $0xffff  }
0x3f: {  	v2 =	vld.idx.msk [tilespmem:v1+s20+$0xFFFFFFF0 ss:$0x1], $0xffff  }
0x40: {  	s31 =	sshll.u32 s14, $0xE;
	v3 =	vld.idx.msk [tilespmem:v1+s20+$0x0 ss:$0x1], $0xffff  }
0x41: {  	s18 =	sand.u32 $0x4000, s31;
	v5 =	vld.idx.msk [tilespmem:v1+s20+$0x10 ss:$0x1], $0xffff;
	[tilespmem:v0+s20+$0x0 ss:$0x1] =	vst.idx.msk $0xffff, v7  }
0x42: {  	s21 =	simm.s32 $0x400;
	s19 =	simm.s32 $0x80;
	s18 =	sor.u32 $0x8000, s18;
	[tilespmem:v0+s20+$0xFFFFFF90 ss:$0x1] =	vst.idx.msk $0xffff, v8;
	v7 =	vld.idx.msk [tilespmem:v1+s20+$0x20 ss:$0x1], $0xffff  }
.LBB1_3:
0x43: {  	p0 =	sne.s32 s21, $0xFE00;
	v8 =	vld.idx.msk [tilespmem:v1+s19+$0x30 ss:$0x1], $0xffff;
	[tilespmem:v0+s20+$0xFFFFFFA0 ss:$0x1] =	vst.idx.msk $0xffff, v6  }
0x44: {  	v9 =	vld.idx.msk [tilespmem:v1+s19+$0xFFFFFFC0 ss:$0x1], $0xffff;
	[tilespmem:v0+s20+$0xFFFFFFB0 ss:$0x1] =	vst.idx.msk $0xffff, v4  }
0x45: {  	v6 =	vld.idx.msk [tilespmem:v1+s19+$0xFFFFFFD0 ss:$0x1], $0xffff;
	[tilespmem:v0+s20+$0xFFFFFFC0 ss:$0x1] =	vst.idx.msk $0xffff, v2  }
.Ltmp3:
0x46: {  	v4 =	vld.idx.msk [tilespmem:v1+s19+$0xFFFFFFE0 ss:$0x1], $0xffff;
	[tilespmem:v0+s20+$0xFFFFFFD0 ss:$0x1] =	vst.idx.msk $0xffff, v3;
	(pc) =	sbr.rel @p0 .LBB1_3-.Ltmp3, $4  }
0x47: {  	v2 =	vld.idx.msk [tilespmem:v1+s19+$0xFFFFFFF0 ss:$0x1], $0xffff;
	[tilespmem:v0+s20+$0xFFFFFFE0 ss:$0x1] =	vst.idx.msk $0xffff, v5  }
0x48: {  	v3 =	vld.idx.msk [tilespmem:v1+s19+$0x0 ss:$0x1], $0xffff;
	[tilespmem:v0+s20+$0xFFFFFFF0 ss:$0x1] =	vst.idx.msk $0xffff, v7;
	s20 =	smov.u32 s19  }
0x49: {  	v5 =	vld.idx.msk [tilespmem:v1+s20+$0x10 ss:$0x1], $0xffff;
	[tilespmem:v0+s20+$0x0 ss:$0x1] =	vst.idx.msk $0xffff, v8  }
0x4a: {  	s19 =	sshra.s32 s21, $0x2;
	s21 =	sadd.s32 $0x200, s21;
	[tilespmem:v0+s20+$0xFFFFFF90 ss:$0x1] =	vst.idx.msk $0xffff, v9;
	v7 =	vld.idx.msk [tilespmem:v1+s20+$0x20 ss:$0x1], $0xffff  }
.Ltmp4:
0x4b: {  	_ = 	snop;
	(pc) =	sbr.rel .LBB1_4-.Ltmp4, $1  }
0x4c: {  	_ =	sdelay $0x3  }
.LBB1_6:
0x4d: {  	_ =	sfence.sel $0x180000  }
0x4e: {  	s2 =	simm.s32 $0x1;
	[bflag:$0x0] =	sbarrier.arrive $0xFFFF  }
0x4f: {  	s31 =	simm.s32 $0x2;
	[sflag:s2] =	ssyncpa.u1 $0x1  }
0x50: {  	[sflag:s31] =	ssyncpa.u1 $0x1  }
0x51: {  	p0 =	sne.s32 s0, $0x0;
	_ =	strace $0x90000047  }
0x52: {  	s0 =	sadd.s32 @!p0 $0x100000, s1;
	[bflag:$0x2] =	sbarrier.arrive $0xFFFF  }
0x53: {  	[sflag:s0] =	ssyncadd.tile.s32 @!p0 $0x1;
	_ =	shalt  }
.Lfunc_end1:
_tile_overlayer_lowered:
.L_overlay_start_2:
0x54: {  	(tag) =	ssettag $0x2  }
0x55: {  	s0 =	rddreg [dreg:$0x0];
	s2 =	stileid.u32  }
0x56: {  	s1 =	rddreg [dreg:$0x1];
	p0 =	sne.s32 s2, $0x0  }
0x57: {  	s3 =	rddreg [dreg:$0x2];
	[bflag:$0x3] =	sbarrier.arrive $0xFFFF;
	s2 =	simm.s32 @!p0 $0x1C01  }
0x58: {  	[timem:s3], [sflag:s2] =	dma.local @!p0 [hbm:s0], s1  }
0x59: {  	s0 =	simm.s32 @!p0 $0x1  }
0x5a: {  	_ =	swait.ge @!p0 [sflag:s0], s1  }
0x5b: {  	s1 =	ssub.s32 @!p0 $0x0, s1;
	[sflag:s0] =	ssyncset.done @!p0 $0x0  }
0x5c: {  	[sflag:s0] =	ssyncadd.s32 @!p0 s1  }
0x5d: {  	[bflag:$0x3] =	sbarrier.arrive $0xFFFF  }
0x5e: {  	_ =	shalt  }

</sc_bundles>
